<compile_context>
chip_gen: v7x
topology: tpu7x:2x2x1
jax: 0.10.2.dev20260603
libtpu: 0.0.44.dev20260713+nightly
codegen_flags: <defaults>
</compile_context>

<pallas_src>
import functools

import jax
import jax.numpy as jnp
from jax import lax
from jax.experimental import pallas as pl
from jax.experimental.pallas import tpu as pltpu
from jax.experimental.pallas import tpu_sc as plsc

NC = 2
NS = 16
NW = NC * NS
CH = 80

_mesh = functools.partial(
    plsc.VectorSubcoreMesh,
    core_axis_name="c", subcore_axis_name="s", num_cores=NC, num_subcores=NS,
)



def _xa_body(x_ref, w_ref, b_ref, o_ref):
  o_ref[...] = (
      jnp.dot(x_ref[...], w_ref[...], preferred_element_type=jnp.float32)
      + b_ref[...]
  )


def _xa_call(x, w, b):
  n = x.shape[0]
  bn = 2000
  return pl.pallas_call(
      _xa_body,
      grid=(n // bn,),
      in_specs=[
          pl.BlockSpec((bn, x.shape[1]), lambda i: (i, 0)),
          pl.BlockSpec(w.shape, lambda i: (0, 0)),
          pl.BlockSpec(b.shape, lambda i: (0, 0)),
      ],
      out_specs=pl.BlockSpec((bn, w.shape[1]), lambda i: (i, 0)),
      out_shape=jax.ShapeDtypeStruct((n, w.shape[1]), jnp.float32),
  )(x, w, b)



def _gather_call(xa128, row_flat, h):
  e = row_flat.shape[0]
  nchunk = e // CH
  cpw = nchunk // NW

  hf = CH // 2

  @functools.partial(
      pl.kernel,
      out_type=jax.ShapeDtypeStruct((e, 128), jnp.float32),
      mesh=_mesh(),
      scratch_types=[
          pltpu.VMEM((cpw * CH,), jnp.int32),
          pltpu.VMEM((4, CH, 128), jnp.float32),
          pltpu.SemaphoreType.DMA,
          pltpu.SemaphoreType.DMA,
      ],
  )
  def k(xa_hbm, row_hbm, out_hbm, idx_all, rows_v, gsem, osem):
    w = lax.axis_index("s") * NC + lax.axis_index("c")
    c0 = w * cpw
    pltpu.sync_copy(row_hbm.at[pl.ds(c0 * CH, cpw * CH)], idx_all)

    def start_gather(j, b):
      pltpu.async_copy(
          xa_hbm.at[idx_all.at[pl.ds(j * CH, CH)]], rows_v.at[b], gsem)

    def wait_gather(b):
      pltpu.make_async_copy(
          xa_hbm.at[idx_all.at[pl.ds(0, CH)]], rows_v.at[b], gsem).wait()

    def start_out(j, b):
      pltpu.async_copy(
          rows_v.at[b], out_hbm.at[pl.ds((c0 + j) * CH, CH)], osem)

    def wait_out(b):
      pltpu.make_async_copy(
          rows_v.at[b], out_hbm.at[pl.ds(0, CH)], osem).wait()

    start_gather(0, 0)
    start_gather(1, 1)
    start_gather(2, 2)

    @pl.loop(0, cpw)
    def _(j):
      b = lax.rem(j, 4)

      wait_gather(b)

      @pl.when(j >= 1)
      def _():
        wait_out(b)

      @pl.when(j + 3 < cpw)
      def _():
        start_gather(j + 3, lax.rem(j + 3, 4))

      start_out(j, b)

    wait_out(lax.rem(cpw - 1, 4))

  return k(xa128, row_flat)



def _h_body(gx_ref, ea_ref, w_ref, o_ref, *, h, bc, hf):
  de = ea_ref.shape[1]
  eb = jnp.dot(ea_ref[...], w_ref[...], preferred_element_type=jnp.float32)
  t = gx_ref[..., :h] + eb
  res = jnp.where(t > 0, t, jnp.exp(jnp.minimum(t, 0.0)) - 1.0)
  r3 = res.reshape(bc, 2, hf, h)
  o_ref[...] = jnp.concatenate([r3[:, 0], r3[:, 1]], axis=-1).reshape(
      bc * hf, 2 * h)


def _h_call(gx, ea, w):
  e = gx.shape[0]
  h = w.shape[1]
  hf = CH // 2
  bc = 50
  be = bc * CH
  body = functools.partial(_h_body, h=h, bc=bc, hf=hf)
  return pl.pallas_call(
      body,
      grid=(e // be,),
      in_specs=[
          pl.BlockSpec((be, 128), lambda i: (i, 0)),
          pl.BlockSpec((be, ea.shape[1]), lambda i: (i, 0)),
          pl.BlockSpec(w.shape, lambda i: (0, 0)),
      ],
      out_specs=pl.BlockSpec((be // 2, 128), lambda i: (i, 0)),
      out_shape=jax.ShapeDtypeStruct((e // 2, 128), jnp.float32),
  )(gx, ea, w)



def _scatter_call(hmat, col2d, zsum, zcnt, ones):
  nchunk = col2d.shape[0]
  n, h = zsum.shape
  cpw = nchunk // NW
  rpt = n // NS

  @functools.partial(
      pl.kernel,
      out_type=(
          jax.ShapeDtypeStruct((NC, n, h), jnp.float32),
          jax.ShapeDtypeStruct((NC, n, 16), jnp.float32),
      ),
      mesh=_mesh(),
      scratch_types=[
          pltpu.VMEM((cpw, CH), jnp.int32),
          pltpu.VMEM((4, CH, h), jnp.float32),
          pltpu.VMEM((CH, 16), jnp.float32),
          pltpu.VMEM_SHARED((n, h), jnp.float32),
          pltpu.VMEM_SHARED((n, 16), jnp.float32),
          pltpu.SemaphoreType.DMA,
          pltpu.SemaphoreType.DMA,
      ],
      compiler_params=pltpu.CompilerParams(use_tc_tiling_on_sc=False),
  )
  def k(h_hbm, col_hbm, zsum_hbm, zcnt_hbm, ones_hbm,
        sums_out, cnt_out, idx_all, rows_v, ones_v, ssum, scnt, hsem,
        ssem):
    c_ax = lax.axis_index("c")
    s_ax = lax.axis_index("s")
    w = s_ax * NC + c_ax
    c0 = w * cpw
    r0 = s_ax * rpt

    pltpu.sync_copy(zsum_hbm.at[pl.ds(r0, rpt)], ssum.at[pl.ds(r0, rpt)])
    pltpu.sync_copy(zcnt_hbm.at[pl.ds(r0, rpt)], scnt.at[pl.ds(r0, rpt)])
    pltpu.sync_copy(ones_hbm, ones_v)
    pltpu.sync_copy(col_hbm.at[pl.ds(c0, cpw)], idx_all)
    plsc.subcore_barrier()

    hf = CH // 2

    def start_load(j, b):
      r2 = (c0 + j) * hf
      pltpu.async_copy(
          h_hbm.at[pl.ds(r2, hf), pl.ds(0, h)],
          rows_v.at[b].at[pl.ds(0, hf)], hsem)
      pltpu.async_copy(
          h_hbm.at[pl.ds(r2, hf), pl.ds(h, h)],
          rows_v.at[b].at[pl.ds(hf, hf)], hsem)

    def wait_load(b):
      pltpu.make_async_copy(
          h_hbm.at[pl.ds(0, hf), pl.ds(0, h)],
          rows_v.at[b].at[pl.ds(0, hf)], hsem).wait()
      pltpu.make_async_copy(
          h_hbm.at[pl.ds(0, hf), pl.ds(0, h)],
          rows_v.at[b].at[pl.ds(0, hf)], hsem).wait()

    def wait_scatter(j, b):
      pltpu.make_async_copy(
          rows_v.at[b], ssum.at[idx_all.at[j]], ssem).wait()
      pltpu.make_async_copy(
          ones_v, scnt.at[idx_all.at[j]], ssem).wait()

    start_load(0, 0)
    start_load(1, 1)
    start_load(2, 2)

    @pl.loop(0, cpw)
    def _(j):
      b = lax.rem(j, 4)

      wait_load(b)

      @pl.when(j >= 1)
      def _():
        wait_scatter(j - 1, lax.rem(j - 1, 4))

      @pl.when(j + 3 < cpw)
      def _():
        start_load(j + 3, lax.rem(j + 3, 4))

      pltpu.async_copy(rows_v.at[b], ssum.at[idx_all.at[j]], ssem,
                       add=True)
      pltpu.async_copy(ones_v, scnt.at[idx_all.at[j]], ssem, add=True)

    wait_scatter(cpw - 1, lax.rem(cpw - 1, 4))
    plsc.subcore_barrier()
    pltpu.sync_copy(ssum.at[pl.ds(r0, rpt)],
                    sums_out.at[c_ax].at[pl.ds(r0, rpt)])
    pltpu.sync_copy(scnt.at[pl.ds(r0, rpt)],
                    cnt_out.at[c_ax].at[pl.ds(r0, rpt)])

  return k(hmat, col2d, zsum, zcnt, ones)



def _out_body(x_ref, s0_ref, s1_ref, c0_ref, c1_ref, w1b_ref, b1b_ref,
              w2x_ref, w2m_ref, b2a_ref, w2b_ref, b2b_ref, o_ref):
  s = s0_ref[...] + s1_ref[...]
  cnt = (c0_ref[...] + c1_ref[...])[:, :1]
  m = s / jnp.maximum(cnt, 1.0)
  mask = (cnt > 0).astype(jnp.float32)
  mean = (
      jnp.dot(m, w1b_ref[...], preferred_element_type=jnp.float32)
      + b1b_ref[...] * mask
  )
  t = (
      jnp.dot(x_ref[...], w2x_ref[...], preferred_element_type=jnp.float32)
      + jnp.dot(mean, w2m_ref[...], preferred_element_type=jnp.float32)
      + b2a_ref[...]
  )
  t = jnp.where(t > 0, t, jnp.exp(jnp.minimum(t, 0.0)) - 1.0)
  o_ref[...] = (
      jnp.dot(t, w2b_ref[...], preferred_element_type=jnp.float32)
      + b2b_ref[...]
  )


def _out_call(x, s0, s1, c0, c1, w1b, b1b, w2x, w2m, b2a, w2b, b2b):
  n, df = x.shape
  h = s0.shape[1]
  out = w2b.shape[1]
  bn = 2000
  full = lambda a: pl.BlockSpec(a.shape, lambda i: (0,) * a.ndim)
  return pl.pallas_call(
      _out_body,
      grid=(n // bn,),
      in_specs=[
          pl.BlockSpec((bn, df), lambda i: (i, 0)),
          pl.BlockSpec((bn, h), lambda i: (i, 0)),
          pl.BlockSpec((bn, h), lambda i: (i, 0)),
          pl.BlockSpec((bn, 16), lambda i: (i, 0)),
          pl.BlockSpec((bn, 16), lambda i: (i, 0)),
          full(w1b), full(b1b), full(w2x), full(w2m), full(b2a),
          full(w2b), full(b2b),
      ],
      out_specs=pl.BlockSpec((bn, out), lambda i: (i, 0)),
      out_shape=jax.ShapeDtypeStruct((n, out), jnp.float32),
  )(x, s0, s1, c0, c1, w1b, b1b, w2x, w2m, b2a, w2b, b2b)



def kernel(x, edge_index, edge_attr, u, batch,
           W1a, b1a, W1b, b1b, W2a, b2a, W2b, b2b):
  n, df = x.shape
  e, de = edge_attr.shape
  h = W1b.shape[0]
  nchunk = e // CH

  row_flat = edge_index[0].astype(jnp.int32)
  col2d = edge_index[1].astype(jnp.int32).reshape(nchunk, CH)

  w1ax128 = jnp.pad(W1a[:df], ((0, 0), (0, 128 - h)))
  b1a128 = jnp.pad(b1a, (0, 128 - h)).reshape(1, 128)
  xa128 = _xa_call(x, w1ax128, b1a128)
  gx = _gather_call(xa128, row_flat, h)
  hmat = _h_call(gx, edge_attr, W1a[df:])

  zsum = jnp.zeros((n, h), jnp.float32)
  zcnt = jnp.zeros((n, 16), jnp.float32)
  ones = jnp.ones((CH, 16), jnp.float32)
  sums_p, cnt_p = _scatter_call(hmat, col2d, zsum, zcnt, ones)

  return _out_call(
      x, sums_p[0], sums_p[1], cnt_p[0], cnt_p[1],
      W1b, b1b.reshape(1, h), W2a[:df], W2a[df:],
      b2a.reshape(1, h), W2b, b2b.reshape(1, W2b.shape[1]),
  )

# --- scband reference (transcript-rebuilt; emitter-appended) ---
"""Pipeline reference for scband-node-model-60069412602528 (READ-ONLY COPY).

The authoritative reference and input builder live on the scoring server;
editing this copy changes nothing except your own understanding.
"""

import jax, jax.numpy as jnp
import numpy as np

N = 10000
E = 320000
DF = 128
DE = 16
H = 64
OUT = 128


def setup_inputs(seed: int = 0) -> dict:
    key = jax.random.key(seed)
    ks = jax.random.split(key, 13)
    x = jax.random.normal(ks[0], (N, DF), dtype=jnp.float32)
    edge_index = jax.random.randint(ks[1], (2, E), 0, N)
    edge_attr = jax.random.normal(ks[2], (E, DE), dtype=jnp.float32)
    u = jax.random.normal(ks[3], (1, DF), dtype=jnp.float32)
    batch = jnp.zeros((N,), dtype=jnp.int32)
    # node_mlp_1: Linear(DF+DE -> 64), ELU, Linear(64 -> 64)
    W1a = jax.random.normal(ks[4], (DF + DE, H), dtype=jnp.float32) * 0.05
    b1a = jnp.zeros((H,), dtype=jnp.float32)
    W1b = jax.random.normal(ks[5], (H, H), dtype=jnp.float32) * 0.05
    b1b = jnp.zeros((H,), dtype=jnp.float32)
    # node_mlp_2: Linear(DF+64 -> 64), ELU, Linear(64 -> OUT)
    W2a = jax.random.normal(ks[6], (DF + H, H), dtype=jnp.float32) * 0.05
    b2a = jnp.zeros((H,), dtype=jnp.float32)
    W2b = jax.random.normal(ks[7], (H, OUT), dtype=jnp.float32) * 0.05
    b2b = jnp.zeros((OUT,), dtype=jnp.float32)
    return {"x": x, "edge_index": edge_index, "edge_attr": edge_attr, "u": u,
            "batch": batch, "W1a": W1a, "b1a": b1a, "W1b": W1b, "b1b": b1b,
            "W2a": W2a, "b2a": b2a, "W2b": W2b, "b2b": b2b}


def reference(x, edge_index, edge_attr, u, batch, W1a, b1a, W1b, b1b, W2a, b2a, W2b, b2b):
    row = edge_index[0]
    col = edge_index[1]
    # gather source node features, concat with edge features
    out = jnp.concatenate([jnp.take(x, row, axis=0), edge_attr], axis=1)
    # node_mlp_1
    out = jax.nn.elu(out @ W1a + b1a) @ W1b + b1b
    # scatter_mean over destination nodes
    sums = jax.ops.segment_sum(out, col, num_segments=N)
    cnts = jax.ops.segment_sum(jnp.ones((E,), dtype=jnp.float32), col, num_segments=N)
    mean = sums / jnp.maximum(cnts, 1.0)[:, None]
    # node_mlp_2
    out2 = jnp.concatenate([x, mean], axis=1)
    return jax.nn.elu(out2 @ W2a + b2a) @ W2b + b2b

if __name__ == "__main__":
    import jax
    _d = setup_inputs()
    print(jax.jit(kernel)(*tuple(_d.values())))

</pallas_src>

<mosaic_0001>
#map = affine_map<(d0, d1) -> (0, 0)>
#map1 = affine_map<(d0, d1) -> (0)>
module attributes {stable_mosaic.version = 14 : i64} {
  func.func @k(%arg0: i32, %arg1: i32, %arg2: memref<10000x128xf32, #tpu.memory_space<hbm>>, %arg3: memref<320000xi32, #tpu.memory_space<hbm>>, %arg4: memref<320000x128xf32, #tpu.memory_space<hbm>>, %arg5: memref<10000xi32, #tpu.memory_space<vmem>>, %arg6: memref<4x80x128xf32, #tpu.memory_space<vmem>>, %arg7: memref<!tpu.dma_semaphore, #tpu.memory_space<semaphore_mem>>, %arg8: memref<!tpu.dma_semaphore, #tpu.memory_space<semaphore_mem>>) attributes {dimension_semantics = [#tpu.dimension_semantics<core_parallel>, #tpu.dimension_semantics<subcore_parallel>], iteration_bounds = array<i64: 2, 16>, scalar_prefetch = 0 : i64, scratch_operands = 4 : i64, tpu.core_type = #tpu.core_type<sc_vector_subcore>, window_params = [{transform_indices = #map}, {transform_indices = #map1}, {transform_indices = #map}]} {
    %mul3A = arith.constant 2 : i32
    %mul3A_0 = arith.muli %arg1, %mul3A : i32
    %add3A = arith.addi %mul3A_0, %arg0 : i32
    %mul3A_1 = arith.constant 125 : i32
    %mul3A_2 = arith.muli %add3A, %mul3A_1 : i32
    %mul3A_3 = arith.constant 80 : i32
    %mul3A_4 = arith.muli %mul3A_2, %mul3A_3 : i32
    "tpu.region"() ({
      %run_scoped3A = tpu.sem_alloc : memref<!tpu.dma_semaphore, #tpu.memory_space<semaphore_mem>>
      %dma_start3A_53 = tpu.memref_slice %arg3[%mul3A_4] : memref<320000xi32, #tpu.memory_space<hbm>> -> memref<10000xi32, #tpu.memory_space<hbm>>
      %dma_start3A_54 = tpu.memref_slice %arg3[%mul3A_4] : memref<320000xi32, #tpu.memory_space<hbm>> -> memref<10000xi32, #tpu.memory_space<hbm>>
      tpu.enqueue_dma source(%dma_start3A_54 : memref<10000xi32, #tpu.memory_space<hbm>>) target(%arg5 : memref<10000xi32, #tpu.memory_space<vmem>>) target_semaphore(%run_scoped3A : memref<!tpu.dma_semaphore, #tpu.memory_space<semaphore_mem>>)
      %dma_wait3A_55 = tpu.memref_slice %arg3[%mul3A_4] : memref<320000xi32, #tpu.memory_space<hbm>> -> memref<10000xi32, #tpu.memory_space<hbm>>
      %dma_wait3A_56 = tpu.memref_slice %arg3[%mul3A_4] : memref<320000xi32, #tpu.memory_space<hbm>> -> memref<10000xi32, #tpu.memory_space<hbm>>
      tpu.wait_dma2 semaphore(%run_scoped3A : memref<!tpu.dma_semaphore, #tpu.memory_space<semaphore_mem>>) src(%dma_wait3A_56 : memref<10000xi32, #tpu.memory_space<hbm>>) dst(%arg5 : memref<10000xi32, #tpu.memory_space<vmem>>)
      tpu.yield
    }) : () -> ()
    %dma_start3A = arith.constant 0 : i32
    %dma_start3A_5 = arith.constant 0 : i32
    %dma_start3A_6 = arith.constant 0 : i32
    %dma_start3A_7 = tpu.memref_slice %arg6[%dma_start3A, %dma_start3A_5, %dma_start3A_6] : memref<4x80x128xf32, #tpu.memory_space<vmem>> -> memref<1x80x128xf32, #tpu.memory_space<vmem>>
    %dma_start3A_8 = tpu.memref_squeeze %dma_start3A_7 : memref<1x80x128xf32, #tpu.memory_space<vmem>> -> memref<80x128xf32, #tpu.memory_space<vmem>>
    %dma_start3A_9 = arith.constant 0 : i32
    %dma_start3A_10 = tpu.memref_slice %arg5[%dma_start3A_9] : memref<10000xi32, #tpu.memory_space<vmem>> -> memref<80xi32, #tpu.memory_space<vmem>>
    %dma_start3A_11 = arith.constant 0 : i32
    %dma_start3A_12 = arith.constant 0 : i32
    %dma_start3A_13 = tpu.memref_slice %arg2[%dma_start3A_11, %dma_start3A_12] : memref<10000x128xf32, #tpu.memory_space<hbm>> -> memref<10000x128xf32, #tpu.memory_space<hbm>>
    tpu.enqueue_indirect_dma source(%dma_start3A_13 : memref<10000x128xf32, #tpu.memory_space<hbm>>) target(%dma_start3A_8 : memref<80x128xf32, #tpu.memory_space<vmem>>) offsets(%dma_start3A_10 : memref<80xi32, #tpu.memory_space<vmem>>) semaphore(%arg7 : memref<!tpu.dma_semaphore, #tpu.memory_space<semaphore_mem>>)
    %dma_start3A_14 = arith.constant 1 : i32
    %dma_start3A_15 = arith.constant 0 : i32
    %dma_start3A_16 = arith.constant 0 : i32
    %dma_start3A_17 = tpu.memref_slice %arg6[%dma_start3A_14, %dma_start3A_15, %dma_start3A_16] : memref<4x80x128xf32, #tpu.memory_space<vmem>> -> memref<1x80x128xf32, #tpu.memory_space<vmem>>
    %dma_start3A_18 = tpu.memref_squeeze %dma_start3A_17 : memref<1x80x128xf32, #tpu.memory_space<vmem>> -> memref<80x128xf32, #tpu.memory_space<vmem>>
    %dma_start3A_19 = arith.constant 80 : i32
    %dma_start3A_20 = tpu.memref_slice %arg5[%dma_start3A_19] : memref<10000xi32, #tpu.memory_space<vmem>> -> memref<80xi32, #tpu.memory_space<vmem>>
    %dma_start3A_21 = arith.constant 0 : i32
    %dma_start3A_22 = arith.constant 0 : i32
    %dma_start3A_23 = tpu.memref_slice %arg2[%dma_start3A_21, %dma_start3A_22] : memref<10000x128xf32, #tpu.memory_space<hbm>> -> memref<10000x128xf32, #tpu.memory_space<hbm>>
    tpu.enqueue_indirect_dma source(%dma_start3A_23 : memref<10000x128xf32, #tpu.memory_space<hbm>>) target(%dma_start3A_18 : memref<80x128xf32, #tpu.memory_space<vmem>>) offsets(%dma_start3A_20 : memref<80xi32, #tpu.memory_space<vmem>>) semaphore(%arg7 : memref<!tpu.dma_semaphore, #tpu.memory_space<semaphore_mem>>)
    %dma_start3A_24 = arith.constant 2 : i32
    %dma_start3A_25 = arith.constant 0 : i32
    %dma_start3A_26 = arith.constant 0 : i32
    %dma_start3A_27 = tpu.memref_slice %arg6[%dma_start3A_24, %dma_start3A_25, %dma_start3A_26] : memref<4x80x128xf32, #tpu.memory_space<vmem>> -> memref<1x80x128xf32, #tpu.memory_space<vmem>>
    %dma_start3A_28 = tpu.memref_squeeze %dma_start3A_27 : memref<1x80x128xf32, #tpu.memory_space<vmem>> -> memref<80x128xf32, #tpu.memory_space<vmem>>
    %dma_start3A_29 = arith.constant 160 : i32
    %dma_start3A_30 = tpu.memref_slice %arg5[%dma_start3A_29] : memref<10000xi32, #tpu.memory_space<vmem>> -> memref<80xi32, #tpu.memory_space<vmem>>
    %dma_start3A_31 = arith.constant 0 : i32
    %dma_start3A_32 = arith.constant 0 : i32
    %dma_start3A_33 = tpu.memref_slice %arg2[%dma_start3A_31, %dma_start3A_32] : memref<10000x128xf32, #tpu.memory_space<hbm>> -> memref<10000x128xf32, #tpu.memory_space<hbm>>
    tpu.enqueue_indirect_dma source(%dma_start3A_33 : memref<10000x128xf32, #tpu.memory_space<hbm>>) target(%dma_start3A_28 : memref<80x128xf32, #tpu.memory_space<vmem>>) offsets(%dma_start3A_30 : memref<80xi32, #tpu.memory_space<vmem>>) semaphore(%arg7 : memref<!tpu.dma_semaphore, #tpu.memory_space<semaphore_mem>>)
    %scan3A = arith.constant 0 : i32
    %scan3A_34 = arith.constant 125 : i32
    %scan3A_35 = arith.addi %scan3A, %scan3A_34 : i32
    %scan3A_36 = arith.constant 1 : i32
    scf.for %scan3A_53 = %scan3A to %scan3A_35 step %scan3A_36  : i32 {
      %mul3A_54 = arith.constant 1 : i32
      %mul3A_55 = arith.muli %scan3A_53, %mul3A_54 : i32
      %add3A_56 = arith.constant 0 : i32
      %add3A_57 = arith.addi %add3A_56, %mul3A_55 : i32
      %rem3A_58 = arith.constant 4 : i32
      %rem3A_59 = arith.remsi %add3A_57, %rem3A_58 : i32
      %dma_wait3A_60 = arith.constant 0 : i32
      %dma_wait3A_61 = arith.constant 0 : i32
      %dma_wait3A_62 = tpu.memref_slice %arg6[%rem3A_59, %dma_wait3A_60, %dma_wait3A_61] : memref<4x80x128xf32, #tpu.memory_space<vmem>> -> memref<1x80x128xf32, #tpu.memory_space<vmem>>
      %dma_wait3A_63 = tpu.memref_squeeze %dma_wait3A_62 : memref<1x80x128xf32, #tpu.memory_space<vmem>> -> memref<80x128xf32, #tpu.memory_space<vmem>>
      %dma_wait3A_64 = arith.constant 0 : i32
      %dma_wait3A_65 = tpu.memref_slice %arg5[%dma_wait3A_64] : memref<10000xi32, #tpu.memory_space<vmem>> -> memref<80xi32, #tpu.memory_space<vmem>>
      %dma_wait3A_66 = arith.constant 0 : i32
      %dma_wait3A_67 = arith.constant 0 : i32
      %dma_wait3A_68 = tpu.memref_slice %arg2[%dma_wait3A_66, %dma_wait3A_67] : memref<10000x128xf32, #tpu.memory_space<hbm>> -> memref<10000x128xf32, #tpu.memory_space<hbm>>
      tpu.wait_indirect_dma semaphore(%arg7 : memref<!tpu.dma_semaphore, #tpu.memory_space<semaphore_mem>>) src(%dma_wait3A_68 : memref<10000x128xf32, #tpu.memory_space<hbm>>) dst(%dma_wait3A_63 : memref<80x128xf32, #tpu.memory_space<vmem>>)
      %ge3A = arith.constant 1 : i32
      %ge3A_69 = arith.cmpi sge, %add3A_57, %ge3A : i32
      %convert_element_type3A = arith.extui %ge3A_69 : i1 to i32
      %cond3A = arith.constant 0 : i32
      %cond3A_70 = arith.cmpi ne, %convert_element_type3A, %cond3A : i32
      scf.if %cond3A_70 {
        %dma_wait3A_92 = arith.constant 0 : i32
        %dma_wait3A_93 = arith.constant 0 : i32
        %dma_wait3A_94 = tpu.memref_slice %arg6[%rem3A_59, %dma_wait3A_92, %dma_wait3A_93] : memref<4x80x128xf32, #tpu.memory_space<vmem>> -> memref<1x80x128xf32, #tpu.memory_space<vmem>>
        %dma_wait3A_95 = tpu.memref_squeeze %dma_wait3A_94 : memref<1x80x128xf32, #tpu.memory_space<vmem>> -> memref<80x128xf32, #tpu.memory_space<vmem>>
        %dma_wait3A_96 = arith.constant 0 : i32
        %dma_wait3A_97 = arith.constant 0 : i32
        %dma_wait3A_98 = tpu.memref_slice %arg4[%dma_wait3A_96, %dma_wait3A_97] : memref<320000x128xf32, #tpu.memory_space<hbm>> -> memref<80x128xf32, #tpu.memory_space<hbm>>
        %dma_wait3A_99 = arith.constant 0 : i32
        %dma_wait3A_100 = arith.constant 0 : i32
        %dma_wait3A_101 = tpu.memref_slice %arg4[%dma_wait3A_99, %dma_wait3A_100] : memref<320000x128xf32, #tpu.memory_space<hbm>> -> memref<80x128xf32, #tpu.memory_space<hbm>>
        %dma_wait3A_102 = arith.constant 0 : i32
        %dma_wait3A_103 = arith.constant 0 : i32
        %dma_wait3A_104 = tpu.memref_slice %arg6[%rem3A_59, %dma_wait3A_102, %dma_wait3A_103] : memref<4x80x128xf32, #tpu.memory_space<vmem>> -> memref<1x80x128xf32, #tpu.memory_space<vmem>>
        %dma_wait3A_105 = tpu.memref_squeeze %dma_wait3A_104 : memref<1x80x128xf32, #tpu.memory_space<vmem>> -> memref<80x128xf32, #tpu.memory_space<vmem>>
        tpu.wait_dma2 semaphore(%arg8 : memref<!tpu.dma_semaphore, #tpu.memory_space<semaphore_mem>>) src(%dma_wait3A_105 : memref<80x128xf32, #tpu.memory_space<vmem>>) dst(%dma_wait3A_101 : memref<80x128xf32, #tpu.memory_space<hbm>>)
      } else {
      }
      %add3A_71 = arith.constant 3 : i32
      %add3A_72 = arith.addi %add3A_57, %add3A_71 : i32
      %lt3A = arith.constant 125 : i32
      %lt3A_73 = arith.cmpi slt, %add3A_72, %lt3A : i32
      %convert_element_type3A_74 = arith.extui %lt3A_73 : i1 to i32
      %cond3A_75 = arith.constant 0 : i32
      %cond3A_76 = arith.cmpi ne, %convert_element_type3A_74, %cond3A_75 : i32
      scf.if %cond3A_76 {
        %add3A_92 = arith.constant 3 : i32
        %add3A_93 = arith.addi %add3A_57, %add3A_92 : i32
        %add3A_94 = arith.constant 3 : i32
        %add3A_95 = arith.addi %add3A_57, %add3A_94 : i32
        %rem3A_96 = arith.constant 4 : i32
        %rem3A_97 = arith.remsi %add3A_95, %rem3A_96 : i32
        %mul3A_98 = arith.constant 80 : i32
        %mul3A_99 = arith.muli %add3A_93, %mul3A_98 : i32
        %dma_start3A_100 = arith.constant 0 : i32
        %dma_start3A_101 = arith.constant 0 : i32
        %dma_start3A_102 = tpu.memref_slice %arg6[%rem3A_97, %dma_start3A_100, %dma_start3A_101] : memref<4x80x128xf32, #tpu.memory_space<vmem>> -> memref<1x80x128xf32, #tpu.memory_space<vmem>>
        %dma_start3A_103 = tpu.memref_squeeze %dma_start3A_102 : memref<1x80x128xf32, #tpu.memory_space<vmem>> -> memref<80x128xf32, #tpu.memory_space<vmem>>
        %dma_start3A_104 = tpu.memref_slice %arg5[%mul3A_99] : memref<10000xi32, #tpu.memory_space<vmem>> -> memref<80xi32, #tpu.memory_space<vmem>>
        %dma_start3A_105 = arith.constant 0 : i32
        %dma_start3A_106 = arith.constant 0 : i32
        %dma_start3A_107 = tpu.memref_slice %arg2[%dma_start3A_105, %dma_start3A_106] : memref<10000x128xf32, #tpu.memory_space<hbm>> -> memref<10000x128xf32, #tpu.memory_space<hbm>>
        tpu.enqueue_indirect_dma source(%dma_start3A_107 : memref<10000x128xf32, #tpu.memory_space<hbm>>) target(%dma_start3A_103 : memref<80x128xf32, #tpu.memory_space<vmem>>) offsets(%dma_start3A_104 : memref<80xi32, #tpu.memory_space<vmem>>) semaphore(%arg7 : memref<!tpu.dma_semaphore, #tpu.memory_space<semaphore_mem>>)
      } else {
      }
      %add3A_77 = arith.addi %mul3A_2, %add3A_57 : i32
      %mul3A_78 = arith.constant 80 : i32
      %mul3A_79 = arith.muli %add3A_77, %mul3A_78 : i32
      %dma_start3A_80 = arith.constant 0 : i32
      %dma_start3A_81 = arith.constant 0 : i32
      %dma_start3A_82 = tpu.memref_slice %arg6[%rem3A_59, %dma_start3A_80, %dma_start3A_81] : memref<4x80x128xf32, #tpu.memory_space<vmem>> -> memref<1x80x128xf32, #tpu.memory_space<vmem>>
      %dma_start3A_83 = tpu.memref_squeeze %dma_start3A_82 : memref<1x80x128xf32, #tpu.memory_space<vmem>> -> memref<80x128xf32, #tpu.memory_space<vmem>>
      %dma_start3A_84 = arith.constant 0 : i32
      %dma_start3A_85 = tpu.memref_slice %arg4[%mul3A_79, %dma_start3A_84] : memref<320000x128xf32, #tpu.memory_space<hbm>> -> memref<80x128xf32, #tpu.memory_space<hbm>>
      %dma_start3A_86 = arith.constant 0 : i32
      %dma_start3A_87 = tpu.memref_slice %arg4[%mul3A_79, %dma_start3A_86] : memref<320000x128xf32, #tpu.memory_space<hbm>> -> memref<80x128xf32, #tpu.memory_space<hbm>>
      %dma_start3A_88 = arith.constant 0 : i32
      %dma_start3A_89 = arith.constant 0 : i32
      %dma_start3A_90 = tpu.memref_slice %arg6[%rem3A_59, %dma_start3A_88, %dma_start3A_89] : memref<4x80x128xf32, #tpu.memory_space<vmem>> -> memref<1x80x128xf32, #tpu.memory_space<vmem>>
      %dma_start3A_91 = tpu.memref_squeeze %dma_start3A_90 : memref<1x80x128xf32, #tpu.memory_space<vmem>> -> memref<80x128xf32, #tpu.memory_space<vmem>>
      tpu.enqueue_dma source(%dma_start3A_91 : memref<80x128xf32, #tpu.memory_space<vmem>>) target(%dma_start3A_87 : memref<80x128xf32, #tpu.memory_space<hbm>>) target_semaphore(%arg8 : memref<!tpu.dma_semaphore, #tpu.memory_space<semaphore_mem>>)
    }
    %scan3A_37 = arith.constant 125 : i32
    %rem3A = arith.constant 124 : i32
    %rem3A_38 = arith.constant 4 : i32
    %rem3A_39 = arith.remsi %rem3A, %rem3A_38 : i32
    %dma_wait3A = arith.constant 0 : i32
    %dma_wait3A_40 = arith.constant 0 : i32
    %dma_wait3A_41 = tpu.memref_slice %arg6[%rem3A_39, %dma_wait3A, %dma_wait3A_40] : memref<4x80x128xf32, #tpu.memory_space<vmem>> -> memref<1x80x128xf32, #tpu.memory_space<vmem>>
    %dma_wait3A_42 = tpu.memref_squeeze %dma_wait3A_41 : memref<1x80x128xf32, #tpu.memory_space<vmem>> -> memref<80x128xf32, #tpu.memory_space<vmem>>
    %dma_wait3A_43 = arith.constant 0 : i32
    %dma_wait3A_44 = arith.constant 0 : i32
    %dma_wait3A_45 = tpu.memref_slice %arg4[%dma_wait3A_43, %dma_wait3A_44] : memref<320000x128xf32, #tpu.memory_space<hbm>> -> memref<80x128xf32, #tpu.memory_space<hbm>>
    %dma_wait3A_46 = arith.constant 0 : i32
    %dma_wait3A_47 = arith.constant 0 : i32
    %dma_wait3A_48 = tpu.memref_slice %arg4[%dma_wait3A_46, %dma_wait3A_47] : memref<320000x128xf32, #tpu.memory_space<hbm>> -> memref<80x128xf32, #tpu.memory_space<hbm>>
    %dma_wait3A_49 = arith.constant 0 : i32
    %dma_wait3A_50 = arith.constant 0 : i32
    %dma_wait3A_51 = tpu.memref_slice %arg6[%rem3A_39, %dma_wait3A_49, %dma_wait3A_50] : memref<4x80x128xf32, #tpu.memory_space<vmem>> -> memref<1x80x128xf32, #tpu.memory_space<vmem>>
    %dma_wait3A_52 = tpu.memref_squeeze %dma_wait3A_51 : memref<1x80x128xf32, #tpu.memory_space<vmem>> -> memref<80x128xf32, #tpu.memory_space<vmem>>
    tpu.wait_dma2 semaphore(%arg8 : memref<!tpu.dma_semaphore, #tpu.memory_space<semaphore_mem>>) src(%dma_wait3A_52 : memref<80x128xf32, #tpu.memory_space<vmem>>) dst(%dma_wait3A_48 : memref<80x128xf32, #tpu.memory_space<hbm>>)
    return
  }
}

#map = affine_map<(d0, d1) -> (0, 0)>
#map1 = affine_map<(d0, d1) -> (0, 0, 0)>
module attributes {stable_mosaic.version = 14 : i64} {
  func.func @k(%arg0: i32, %arg1: i32, %arg2: memref<160000x128xf32, #tpu.memory_space<hbm>>, %arg3: memref<4000x80xi32, #tpu.memory_space<hbm>>, %arg4: memref<10000x64xf32, #tpu.memory_space<hbm>>, %arg5: memref<10000x16xf32, #tpu.memory_space<hbm>>, %arg6: memref<80x16xf32, #tpu.memory_space<hbm>>, %arg7: memref<2x10000x64xf32, #tpu.memory_space<hbm>>, %arg8: memref<2x10000x16xf32, #tpu.memory_space<hbm>>, %arg9: memref<125x80xi32, #tpu.memory_space<vmem>>, %arg10: memref<4x80x64xf32, #tpu.memory_space<vmem>>, %arg11: memref<80x16xf32, #tpu.memory_space<vmem>>, %arg12: memref<10000x64xf32, #tpu.memory_space<vmem_shared>>, %arg13: memref<10000x16xf32, #tpu.memory_space<vmem_shared>>, %arg14: memref<!tpu.dma_semaphore, #tpu.memory_space<semaphore_mem>>, %arg15: memref<!tpu.dma_semaphore, #tpu.memory_space<semaphore_mem>>) attributes {dimension_semantics = [#tpu.dimension_semantics<core_parallel>, #tpu.dimension_semantics<subcore_parallel>], iteration_bounds = array<i64: 2, 16>, scalar_prefetch = 0 : i64, scratch_operands = 7 : i64, tpu.core_type = #tpu.core_type<sc_vector_subcore>, window_params = [{transform_indices = #map}, {transform_indices = #map}, {transform_indices = #map}, {transform_indices = #map}, {transform_indices = #map}, {transform_indices = #map1}, {transform_indices = #map1}]} {
    %mul3A = arith.constant 2 : i32
    %mul3A_0 = arith.muli %arg1, %mul3A : i32
    %add3A = arith.addi %mul3A_0, %arg0 : i32
    %mul3A_1 = arith.constant 125 : i32
    %mul3A_2 = arith.muli %add3A, %mul3A_1 : i32
    %mul3A_3 = arith.constant 625 : i32
    %mul3A_4 = arith.muli %arg1, %mul3A_3 : i32
    "tpu.region"() ({
      %run_scoped3A = tpu.sem_alloc : memref<!tpu.dma_semaphore, #tpu.memory_space<semaphore_mem>>
      %dma_start3A_154 = arith.constant 0 : i32
      %dma_start3A_155 = tpu.memref_slice %arg12[%mul3A_4, %dma_start3A_154] : memref<10000x64xf32, #tpu.memory_space<vmem_shared>> -> memref<625x64xf32, #tpu.memory_space<vmem_shared>>
      %dma_start3A_156 = arith.constant 0 : i32
      %dma_start3A_157 = tpu.memref_slice %arg4[%mul3A_4, %dma_start3A_156] : memref<10000x64xf32, #tpu.memory_space<hbm>> -> memref<625x64xf32, #tpu.memory_space<hbm>>
      tpu.enqueue_dma source(%dma_start3A_157 : memref<625x64xf32, #tpu.memory_space<hbm>>) target(%dma_start3A_155 : memref<625x64xf32, #tpu.memory_space<vmem_shared>>) target_semaphore(%run_scoped3A : memref<!tpu.dma_semaphore, #tpu.memory_space<semaphore_mem>>)
      %dma_wait3A_158 = arith.constant 0 : i32
      %dma_wait3A_159 = tpu.memref_slice %arg12[%mul3A_4, %dma_wait3A_158] : memref<10000x64xf32, #tpu.memory_space<vmem_shared>> -> memref<625x64xf32, #tpu.memory_space<vmem_shared>>
      %dma_wait3A_160 = arith.constant 0 : i32
      %dma_wait3A_161 = tpu.memref_slice %arg4[%mul3A_4, %dma_wait3A_160] : memref<10000x64xf32, #tpu.memory_space<hbm>> -> memref<625x64xf32, #tpu.memory_space<hbm>>
      tpu.wait_dma2 semaphore(%run_scoped3A : memref<!tpu.dma_semaphore, #tpu.memory_space<semaphore_mem>>) src(%dma_wait3A_161 : memref<625x64xf32, #tpu.memory_space<hbm>>) dst(%dma_wait3A_159 : memref<625x64xf32, #tpu.memory_space<vmem_shared>>)
      tpu.yield
    }) : () -> ()
    "tpu.region"() ({
      %run_scoped3A = tpu.sem_alloc : memref<!tpu.dma_semaphore, #tpu.memory_space<semaphore_mem>>
      %dma_start3A_154 = arith.constant 0 : i32
      %dma_start3A_155 = tpu.memref_slice %arg13[%mul3A_4, %dma_start3A_154] : memref<10000x16xf32, #tpu.memory_space<vmem_shared>> -> memref<625x16xf32, #tpu.memory_space<vmem_shared>>
      %dma_start3A_156 = arith.constant 0 : i32
      %dma_start3A_157 = tpu.memref_slice %arg5[%mul3A_4, %dma_start3A_156] : memref<10000x16xf32, #tpu.memory_space<hbm>> -> memref<625x16xf32, #tpu.memory_space<hbm>>
      tpu.enqueue_dma source(%dma_start3A_157 : memref<625x16xf32, #tpu.memory_space<hbm>>) target(%dma_start3A_155 : memref<625x16xf32, #tpu.memory_space<vmem_shared>>) target_semaphore(%run_scoped3A : memref<!tpu.dma_semaphore, #tpu.memory_space<semaphore_mem>>)
      %dma_wait3A_158 = arith.constant 0 : i32
      %dma_wait3A_159 = tpu.memref_slice %arg13[%mul3A_4, %dma_wait3A_158] : memref<10000x16xf32, #tpu.memory_space<vmem_shared>> -> memref<625x16xf32, #tpu.memory_space<vmem_shared>>
      %dma_wait3A_160 = arith.constant 0 : i32
      %dma_wait3A_161 = tpu.memref_slice %arg5[%mul3A_4, %dma_wait3A_160] : memref<10000x16xf32, #tpu.memory_space<hbm>> -> memref<625x16xf32, #tpu.memory_space<hbm>>
      tpu.wait_dma2 semaphore(%run_scoped3A : memref<!tpu.dma_semaphore, #tpu.memory_space<semaphore_mem>>) src(%dma_wait3A_161 : memref<625x16xf32, #tpu.memory_space<hbm>>) dst(%dma_wait3A_159 : memref<625x16xf32, #tpu.memory_space<vmem_shared>>)
      tpu.yield
    }) : () -> ()
    "tpu.region"() ({
      %run_scoped3A = tpu.sem_alloc : memref<!tpu.dma_semaphore, #tpu.memory_space<semaphore_mem>>
      tpu.enqueue_dma source(%arg6 : memref<80x16xf32, #tpu.memory_space<hbm>>) target(%arg11 : memref<80x16xf32, #tpu.memory_space<vmem>>) target_semaphore(%run_scoped3A : memref<!tpu.dma_semaphore, #tpu.memory_space<semaphore_mem>>)
      tpu.wait_dma2 semaphore(%run_scoped3A : memref<!tpu.dma_semaphore, #tpu.memory_space<semaphore_mem>>) src(%arg6 : memref<80x16xf32, #tpu.memory_space<hbm>>) dst(%arg11 : memref<80x16xf32, #tpu.memory_space<vmem>>)
      tpu.yield
    }) : () -> ()
    "tpu.region"() ({
      %run_scoped3A = tpu.sem_alloc : memref<!tpu.dma_semaphore, #tpu.memory_space<semaphore_mem>>
      %dma_start3A_154 = arith.constant 0 : i32
      %dma_start3A_155 = tpu.memref_slice %arg3[%mul3A_2, %dma_start3A_154] : memref<4000x80xi32, #tpu.memory_space<hbm>> -> memref<125x80xi32, #tpu.memory_space<hbm>>
      %dma_start3A_156 = arith.constant 0 : i32
      %dma_start3A_157 = tpu.memref_slice %arg3[%mul3A_2, %dma_start3A_156] : memref<4000x80xi32, #tpu.memory_space<hbm>> -> memref<125x80xi32, #tpu.memory_space<hbm>>
      tpu.enqueue_dma source(%dma_start3A_157 : memref<125x80xi32, #tpu.memory_space<hbm>>) target(%arg9 : memref<125x80xi32, #tpu.memory_space<vmem>>) target_semaphore(%run_scoped3A : memref<!tpu.dma_semaphore, #tpu.memory_space<semaphore_mem>>)
      %dma_wait3A_158 = arith.constant 0 : i32
      %dma_wait3A_159 = tpu.memref_slice %arg3[%mul3A_2, %dma_wait3A_158] : memref<4000x80xi32, #tpu.memory_space<hbm>> -> memref<125x80xi32, #tpu.memory_space<hbm>>
      %dma_wait3A_160 = arith.constant 0 : i32
      %dma_wait3A_161 = tpu.memref_slice %arg3[%mul3A_2, %dma_wait3A_160] : memref<4000x80xi32, #tpu.memory_space<hbm>> -> memref<125x80xi32, #tpu.memory_space<hbm>>
      tpu.wait_dma2 semaphore(%run_scoped3A : memref<!tpu.dma_semaphore, #tpu.memory_space<semaphore_mem>>) src(%dma_wait3A_161 : memref<125x80xi32, #tpu.memory_space<hbm>>) dst(%arg9 : memref<125x80xi32, #tpu.memory_space<vmem>>)
      tpu.yield
    }) : () -> ()
    %barrier3A = arith.constant 0 : index
    tpu.barrier barrier_id(%barrier3A)
    %add3A_5 = arith.constant 0 : i32
    %add3A_6 = arith.addi %mul3A_2, %add3A_5 : i32
    %mul3A_7 = arith.constant 40 : i32
    %mul3A_8 = arith.muli %add3A_6, %mul3A_7 : i32
    %dma_start3A = arith.constant 0 : i32
    %dma_start3A_9 = arith.constant 0 : i32
    %dma_start3A_10 = arith.constant 0 : i32
    %dma_start3A_11 = tpu.memref_slice %arg10[%dma_start3A, %dma_start3A_9, %dma_start3A_10] : memref<4x80x64xf32, #tpu.memory_space<vmem>> -> memref<1x80x64xf32, #tpu.memory_space<vmem>>
    %dma_start3A_12 = tpu.memref_squeeze %dma_start3A_11 : memref<1x80x64xf32, #tpu.memory_space<vmem>> -> memref<80x64xf32, #tpu.memory_space<vmem>>
    %dma_start3A_13 = arith.constant 0 : i32
    %dma_start3A_14 = arith.constant 0 : i32
    %dma_start3A_15 = tpu.memref_slice %dma_start3A_12[%dma_start3A_13, %dma_start3A_14] : memref<80x64xf32, #tpu.memory_space<vmem>> -> memref<40x64xf32, #tpu.memory_space<vmem>>
    %dma_start3A_16 = arith.constant 0 : i32
    %dma_start3A_17 = tpu.memref_slice %arg2[%mul3A_8, %dma_start3A_16] : memref<160000x128xf32, #tpu.memory_space<hbm>> -> memref<40x64xf32, #tpu.memory_space<hbm>>
    %dma_start3A_18 = arith.constant 0 : i32
    %dma_start3A_19 = arith.constant 0 : i32
    %dma_start3A_20 = tpu.memref_slice %arg10[%dma_start3A, %dma_start3A_18, %dma_start3A_19] : memref<4x80x64xf32, #tpu.memory_space<vmem>> -> memref<1x80x64xf32, #tpu.memory_space<vmem>>
    %dma_start3A_21 = tpu.memref_squeeze %dma_start3A_20 : memref<1x80x64xf32, #tpu.memory_space<vmem>> -> memref<80x64xf32, #tpu.memory_space<vmem>>
    %dma_start3A_22 = arith.constant 0 : i32
    %dma_start3A_23 = arith.constant 0 : i32
    %dma_start3A_24 = tpu.memref_slice %dma_start3A_21[%dma_start3A_22, %dma_start3A_23] : memref<80x64xf32, #tpu.memory_space<vmem>> -> memref<40x64xf32, #tpu.memory_space<vmem>>
    %dma_start3A_25 = arith.constant 0 : i32
    %dma_start3A_26 = tpu.memref_slice %arg2[%mul3A_8, %dma_start3A_25] : memref<160000x128xf32, #tpu.memory_space<hbm>> -> memref<40x64xf32, #tpu.memory_space<hbm>>
    tpu.enqueue_dma source(%dma_start3A_26 : memref<40x64xf32, #tpu.memory_space<hbm>>) target(%dma_start3A_24 : memref<40x64xf32, #tpu.memory_space<vmem>>) target_semaphore(%arg14 : memref<!tpu.dma_semaphore, #tpu.memory_space<semaphore_mem>>)
    %dma_start3A_27 = arith.constant 0 : i32
    %dma_start3A_28 = arith.constant 0 : i32
    %dma_start3A_29 = arith.constant 0 : i32
    %dma_start3A_30 = tpu.memref_slice %arg10[%dma_start3A_27, %dma_start3A_28, %dma_start3A_29] : memref<4x80x64xf32, #tpu.memory_space<vmem>> -> memref<1x80x64xf32, #tpu.memory_space<vmem>>
    %dma_start3A_31 = tpu.memref_squeeze %dma_start3A_30 : memref<1x80x64xf32, #tpu.memory_space<vmem>> -> memref<80x64xf32, #tpu.memory_space<vmem>>
    %dma_start3A_32 = arith.constant 40 : i32
    %dma_start3A_33 = arith.constant 0 : i32
    %dma_start3A_34 = tpu.memref_slice %dma_start3A_31[%dma_start3A_32, %dma_start3A_33] : memref<80x64xf32, #tpu.memory_space<vmem>> -> memref<40x64xf32, #tpu.memory_space<vmem>>
    %dma_start3A_35 = arith.constant 64 : i32
    %dma_start3A_36 = tpu.memref_slice %arg2[%mul3A_8, %dma_start3A_35] : memref<160000x128xf32, #tpu.memory_space<hbm>> -> memref<40x64xf32, #tpu.memory_space<hbm>>
    %dma_start3A_37 = arith.constant 0 : i32
    %dma_start3A_38 = arith.constant 0 : i32
    %dma_start3A_39 = tpu.memref_slice %arg10[%dma_start3A_27, %dma_start3A_37, %dma_start3A_38] : memref<4x80x64xf32, #tpu.memory_space<vmem>> -> memref<1x80x64xf32, #tpu.memory_space<vmem>>
    %dma_start3A_40 = tpu.memref_squeeze %dma_start3A_39 : memref<1x80x64xf32, #tpu.memory_space<vmem>> -> memref<80x64xf32, #tpu.memory_space<vmem>>
    %dma_start3A_41 = arith.constant 40 : i32
    %dma_start3A_42 = arith.constant 0 : i32
    %dma_start3A_43 = tpu.memref_slice %dma_start3A_40[%dma_start3A_41, %dma_start3A_42] : memref<80x64xf32, #tpu.memory_space<vmem>> -> memref<40x64xf32, #tpu.memory_space<vmem>>
    %dma_start3A_44 = arith.constant 64 : i32
    %dma_start3A_45 = tpu.memref_slice %arg2[%mul3A_8, %dma_start3A_44] : memref<160000x128xf32, #tpu.memory_space<hbm>> -> memref<40x64xf32, #tpu.memory_space<hbm>>
    tpu.enqueue_dma source(%dma_start3A_45 : memref<40x64xf32, #tpu.memory_space<hbm>>) target(%dma_start3A_43 : memref<40x64xf32, #tpu.memory_space<vmem>>) target_semaphore(%arg14 : memref<!tpu.dma_semaphore, #tpu.memory_space<semaphore_mem>>)
    %add3A_46 = arith.constant 1 : i32
    %add3A_47 = arith.addi %mul3A_2, %add3A_46 : i32
    %mul3A_48 = arith.constant 40 : i32
    %mul3A_49 = arith.muli %add3A_47, %mul3A_48 : i32
    %dma_start3A_50 = arith.constant 1 : i32
    %dma_start3A_51 = arith.constant 0 : i32
    %dma_start3A_52 = arith.constant 0 : i32
    %dma_start3A_53 = tpu.memref_slice %arg10[%dma_start3A_50, %dma_start3A_51, %dma_start3A_52] : memref<4x80x64xf32, #tpu.memory_space<vmem>> -> memref<1x80x64xf32, #tpu.memory_space<vmem>>
    %dma_start3A_54 = tpu.memref_squeeze %dma_start3A_53 : memref<1x80x64xf32, #tpu.memory_space<vmem>> -> memref<80x64xf32, #tpu.memory_space<vmem>>
    %dma_start3A_55 = arith.constant 0 : i32
    %dma_start3A_56 = arith.constant 0 : i32
    %dma_start3A_57 = tpu.memref_slice %dma_start3A_54[%dma_start3A_55, %dma_start3A_56] : memref<80x64xf32, #tpu.memory_space<vmem>> -> memref<40x64xf32, #tpu.memory_space<vmem>>
    %dma_start3A_58 = arith.constant 0 : i32
    %dma_start3A_59 = tpu.memref_slice %arg2[%mul3A_49, %dma_start3A_58] : memref<160000x128xf32, #tpu.memory_space<hbm>> -> memref<40x64xf32, #tpu.memory_space<hbm>>
    %dma_start3A_60 = arith.constant 0 : i32
    %dma_start3A_61 = arith.constant 0 : i32
    %dma_start3A_62 = tpu.memref_slice %arg10[%dma_start3A_50, %dma_start3A_60, %dma_start3A_61] : memref<4x80x64xf32, #tpu.memory_space<vmem>> -> memref<1x80x64xf32, #tpu.memory_space<vmem>>
    %dma_start3A_63 = tpu.memref_squeeze %dma_start3A_62 : memref<1x80x64xf32, #tpu.memory_space<vmem>> -> memref<80x64xf32, #tpu.memory_space<vmem>>
    %dma_start3A_64 = arith.constant 0 : i32
    %dma_start3A_65 = arith.constant 0 : i32
    %dma_start3A_66 = tpu.memref_slice %dma_start3A_63[%dma_start3A_64, %dma_start3A_65] : memref<80x64xf32, #tpu.memory_space<vmem>> -> memref<40x64xf32, #tpu.memory_space<vmem>>
    %dma_start3A_67 = arith.constant 0 : i32
    %dma_start3A_68 = tpu.memref_slice %arg2[%mul3A_49, %dma_start3A_67] : memref<160000x128xf32, #tpu.memory_space<hbm>> -> memref<40x64xf32, #tpu.memory_space<hbm>>
    tpu.enqueue_dma source(%dma_start3A_68 : memref<40x64xf32, #tpu.memory_space<hbm>>) target(%dma_start3A_66 : memref<40x64xf32, #tpu.memory_space<vmem>>) target_semaphore(%arg14 : memref<!tpu.dma_semaphore, #tpu.memory_space<semaphore_mem>>)
    %dma_start3A_69 = arith.constant 1 : i32
    %dma_start3A_70 = arith.constant 0 : i32
    %dma_start3A_71 = arith.constant 0 : i32
    %dma_start3A_72 = tpu.memref_slice %arg10[%dma_start3A_69, %dma_start3A_70, %dma_start3A_71] : memref<4x80x64xf32, #tpu.memory_space<vmem>> -> memref<1x80x64xf32, #tpu.memory_space<vmem>>
    %dma_start3A_73 = tpu.memref_squeeze %dma_start3A_72 : memref<1x80x64xf32, #tpu.memory_space<vmem>> -> memref<80x64xf32, #tpu.memory_space<vmem>>
    %dma_start3A_74 = arith.constant 40 : i32
    %dma_start3A_75 = arith.constant 0 : i32
    %dma_start3A_76 = tpu.memref_slice %dma_start3A_73[%dma_start3A_74, %dma_start3A_75] : memref<80x64xf32, #tpu.memory_space<vmem>> -> memref<40x64xf32, #tpu.memory_space<vmem>>
    %dma_start3A_77 = arith.constant 64 : i32
    %dma_start3A_78 = tpu.memref_slice %arg2[%mul3A_49, %dma_start3A_77] : memref<160000x128xf32, #tpu.memory_space<hbm>> -> memref<40x64xf32, #tpu.memory_space<hbm>>
    %dma_start3A_79 = arith.constant 0 : i32
    %dma_start3A_80 = arith.constant 0 : i32
    %dma_start3A_81 = tpu.memref_slice %arg10[%dma_start3A_69, %dma_start3A_79, %dma_start3A_80] : memref<4x80x64xf32, #tpu.memory_space<vmem>> -> memref<1x80x64xf32, #tpu.memory_space<vmem>>
    %dma_start3A_82 = tpu.memref_squeeze %dma_start3A_81 : memref<1x80x64xf32, #tpu.memory_space<vmem>> -> memref<80x64xf32, #tpu.memory_space<vmem>>
    %dma_start3A_83 = arith.constant 40 : i32
    %dma_start3A_84 = arith.constant 0 : i32
    %dma_start3A_85 = tpu.memref_slice %dma_start3A_82[%dma_start3A_83, %dma_start3A_84] : memref<80x64xf32, #tpu.memory_space<vmem>> -> memref<40x64xf32, #tpu.memory_space<vmem>>
    %dma_start3A_86 = arith.constant 64 : i32
    %dma_start3A_87 = tpu.memref_slice %arg2[%mul3A_49, %dma_start3A_86] : memref<160000x128xf32, #tpu.memory_space<hbm>> -> memref<40x64xf32, #tpu.memory_space<hbm>>
    tpu.enqueue_dma source(%dma_start3A_87 : memref<40x64xf32, #tpu.memory_space<hbm>>) target(%dma_start3A_85 : memref<40x64xf32, #tpu.memory_space<vmem>>) target_semaphore(%arg14 : memref<!tpu.dma_semaphore, #tpu.memory_space<semaphore_mem>>)
    %add3A_88 = arith.constant 2 : i32
    %add3A_89 = arith.addi %mul3A_2, %add3A_88 : i32
    %mul3A_90 = arith.constant 40 : i32
    %mul3A_91 = arith.muli %add3A_89, %mul3A_90 : i32
    %dma_start3A_92 = arith.constant 2 : i32
    %dma_start3A_93 = arith.constant 0 : i32
    %dma_start3A_94 = arith.constant 0 : i32
    %dma_start3A_95 = tpu.memref_slice %arg10[%dma_start3A_92, %dma_start3A_93, %dma_start3A_94] : memref<4x80x64xf32, #tpu.memory_space<vmem>> -> memref<1x80x64xf32, #tpu.memory_space<vmem>>
    %dma_start3A_96 = tpu.memref_squeeze %dma_start3A_95 : memref<1x80x64xf32, #tpu.memory_space<vmem>> -> memref<80x64xf32, #tpu.memory_space<vmem>>
    %dma_start3A_97 = arith.constant 0 : i32
    %dma_start3A_98 = arith.constant 0 : i32
    %dma_start3A_99 = tpu.memref_slice %dma_start3A_96[%dma_start3A_97, %dma_start3A_98] : memref<80x64xf32, #tpu.memory_space<vmem>> -> memref<40x64xf32, #tpu.memory_space<vmem>>
    %dma_start3A_100 = arith.constant 0 : i32
    %dma_start3A_101 = tpu.memref_slice %arg2[%mul3A_91, %dma_start3A_100] : memref<160000x128xf32, #tpu.memory_space<hbm>> -> memref<40x64xf32, #tpu.memory_space<hbm>>
    %dma_start3A_102 = arith.constant 0 : i32
    %dma_start3A_103 = arith.constant 0 : i32
    %dma_start3A_104 = tpu.memref_slice %arg10[%dma_start3A_92, %dma_start3A_102, %dma_start3A_103] : memref<4x80x64xf32, #tpu.memory_space<vmem>> -> memref<1x80x64xf32, #tpu.memory_space<vmem>>
    %dma_start3A_105 = tpu.memref_squeeze %dma_start3A_104 : memref<1x80x64xf32, #tpu.memory_space<vmem>> -> memref<80x64xf32, #tpu.memory_space<vmem>>
    %dma_start3A_106 = arith.constant 0 : i32
    %dma_start3A_107 = arith.constant 0 : i32
    %dma_start3A_108 = tpu.memref_slice %dma_start3A_105[%dma_start3A_106, %dma_start3A_107] : memref<80x64xf32, #tpu.memory_space<vmem>> -> memref<40x64xf32, #tpu.memory_space<vmem>>
    %dma_start3A_109 = arith.constant 0 : i32
    %dma_start3A_110 = tpu.memref_slice %arg2[%mul3A_91, %dma_start3A_109] : memref<160000x128xf32, #tpu.memory_space<hbm>> -> memref<40x64xf32, #tpu.memory_space<hbm>>
    tpu.enqueue_dma source(%dma_start3A_110 : memref<40x64xf32, #tpu.memory_space<hbm>>) target(%dma_start3A_108 : memref<40x64xf32, #tpu.memory_space<vmem>>) target_semaphore(%arg14 : memref<!tpu.dma_semaphore, #tpu.memory_space<semaphore_mem>>)
    %dma_start3A_111 = arith.constant 2 : i32
    %dma_start3A_112 = arith.constant 0 : i32
    %dma_start3A_113 = arith.constant 0 : i32
    %dma_start3A_114 = tpu.memref_slice %arg10[%dma_start3A_111, %dma_start3A_112, %dma_start3A_113] : memref<4x80x64xf32, #tpu.memory_space<vmem>> -> memref<1x80x64xf32, #tpu.memory_space<vmem>>
    %dma_start3A_115 = tpu.memref_squeeze %dma_start3A_114 : memref<1x80x64xf32, #tpu.memory_space<vmem>> -> memref<80x64xf32, #tpu.memory_space<vmem>>
    %dma_start3A_116 = arith.constant 40 : i32
    %dma_start3A_117 = arith.constant 0 : i32
    %dma_start3A_118 = tpu.memref_slice %dma_start3A_115[%dma_start3A_116, %dma_start3A_117] : memref<80x64xf32, #tpu.memory_space<vmem>> -> memref<40x64xf32, #tpu.memory_space<vmem>>
    %dma_start3A_119 = arith.constant 64 : i32
    %dma_start3A_120 = tpu.memref_slice %arg2[%mul3A_91, %dma_start3A_119] : memref<160000x128xf32, #tpu.memory_space<hbm>> -> memref<40x64xf32, #tpu.memory_space<hbm>>
    %dma_start3A_121 = arith.constant 0 : i32
    %dma_start3A_122 = arith.constant 0 : i32
    %dma_start3A_123 = tpu.memref_slice %arg10[%dma_start3A_111, %dma_start3A_121, %dma_start3A_122] : memref<4x80x64xf32, #tpu.memory_space<vmem>> -> memref<1x80x64xf32, #tpu.memory_space<vmem>>
    %dma_start3A_124 = tpu.memref_squeeze %dma_start3A_123 : memref<1x80x64xf32, #tpu.memory_space<vmem>> -> memref<80x64xf32, #tpu.memory_space<vmem>>
    %dma_start3A_125 = arith.constant 40 : i32
    %dma_start3A_126 = arith.constant 0 : i32
    %dma_start3A_127 = tpu.memref_slice %dma_start3A_124[%dma_start3A_125, %dma_start3A_126] : memref<80x64xf32, #tpu.memory_space<vmem>> -> memref<40x64xf32, #tpu.memory_space<vmem>>
    %dma_start3A_128 = arith.constant 64 : i32
    %dma_start3A_129 = tpu.memref_slice %arg2[%mul3A_91, %dma_start3A_128] : memref<160000x128xf32, #tpu.memory_space<hbm>> -> memref<40x64xf32, #tpu.memory_space<hbm>>
    tpu.enqueue_dma source(%dma_start3A_129 : memref<40x64xf32, #tpu.memory_space<hbm>>) target(%dma_start3A_127 : memref<40x64xf32, #tpu.memory_space<vmem>>) target_semaphore(%arg14 : memref<!tpu.dma_semaphore, #tpu.memory_space<semaphore_mem>>)
    %scan3A = arith.constant 0 : i32
    %scan3A_130 = arith.constant 125 : i32
    %scan3A_131 = arith.addi %scan3A, %scan3A_130 : i32
    %scan3A_132 = arith.constant 1 : i32
    scf.for %scan3A_154 = %scan3A to %scan3A_131 step %scan3A_132  : i32 {
      %mul3A_155 = arith.constant 1 : i32
      %mul3A_156 = arith.muli %scan3A_154, %mul3A_155 : i32
      %add3A_157 = arith.constant 0 : i32
      %add3A_158 = arith.addi %add3A_157, %mul3A_156 : i32
      %rem3A_159 = arith.constant 4 : i32
      %rem3A_160 = arith.remsi %add3A_158, %rem3A_159 : i32
      %dma_wait3A_161 = arith.constant 0 : i32
      %dma_wait3A_162 = arith.constant 0 : i32
      %dma_wait3A_163 = tpu.memref_slice %arg10[%rem3A_160, %dma_wait3A_161, %dma_wait3A_162] : memref<4x80x64xf32, #tpu.memory_space<vmem>> -> memref<1x80x64xf32, #tpu.memory_space<vmem>>
      %dma_wait3A_164 = tpu.memref_squeeze %dma_wait3A_163 : memref<1x80x64xf32, #tpu.memory_space<vmem>> -> memref<80x64xf32, #tpu.memory_space<vmem>>
      %dma_wait3A_165 = arith.constant 0 : i32
      %dma_wait3A_166 = arith.constant 0 : i32
      %dma_wait3A_167 = tpu.memref_slice %dma_wait3A_164[%dma_wait3A_165, %dma_wait3A_166] : memref<80x64xf32, #tpu.memory_space<vmem>> -> memref<40x64xf32, #tpu.memory_space<vmem>>
      %dma_wait3A_168 = arith.constant 0 : i32
      %dma_wait3A_169 = arith.constant 0 : i32
      %dma_wait3A_170 = tpu.memref_slice %arg2[%dma_wait3A_168, %dma_wait3A_169] : memref<160000x128xf32, #tpu.memory_space<hbm>> -> memref<40x64xf32, #tpu.memory_space<hbm>>
      %dma_wait3A_171 = arith.constant 0 : i32
      %dma_wait3A_172 = arith.constant 0 : i32
      %dma_wait3A_173 = tpu.memref_slice %arg10[%rem3A_160, %dma_wait3A_171, %dma_wait3A_172] : memref<4x80x64xf32, #tpu.memory_space<vmem>> -> memref<1x80x64xf32, #tpu.memory_space<vmem>>
      %dma_wait3A_174 = tpu.memref_squeeze %dma_wait3A_173 : memref<1x80x64xf32, #tpu.memory_space<vmem>> -> memref<80x64xf32, #tpu.memory_space<vmem>>
      %dma_wait3A_175 = arith.constant 0 : i32
      %dma_wait3A_176 = arith.constant 0 : i32
      %dma_wait3A_177 = tpu.memref_slice %dma_wait3A_174[%dma_wait3A_175, %dma_wait3A_176] : memref<80x64xf32, #tpu.memory_space<vmem>> -> memref<40x64xf32, #tpu.memory_space<vmem>>
      %dma_wait3A_178 = arith.constant 0 : i32
      %dma_wait3A_179 = arith.constant 0 : i32
      %dma_wait3A_180 = tpu.memref_slice %arg2[%dma_wait3A_178, %dma_wait3A_179] : memref<160000x128xf32, #tpu.memory_space<hbm>> -> memref<40x64xf32, #tpu.memory_space<hbm>>
      tpu.wait_dma2 semaphore(%arg14 : memref<!tpu.dma_semaphore, #tpu.memory_space<semaphore_mem>>) src(%dma_wait3A_180 : memref<40x64xf32, #tpu.memory_space<hbm>>) dst(%dma_wait3A_177 : memref<40x64xf32, #tpu.memory_space<vmem>>)
      %dma_wait3A_181 = arith.constant 0 : i32
      %dma_wait3A_182 = arith.constant 0 : i32
      %dma_wait3A_183 = tpu.memref_slice %arg10[%rem3A_160, %dma_wait3A_181, %dma_wait3A_182] : memref<4x80x64xf32, #tpu.memory_space<vmem>> -> memref<1x80x64xf32, #tpu.memory_space<vmem>>
      %dma_wait3A_184 = tpu.memref_squeeze %dma_wait3A_183 : memref<1x80x64xf32, #tpu.memory_space<vmem>> -> memref<80x64xf32, #tpu.memory_space<vmem>>
      %dma_wait3A_185 = arith.constant 0 : i32
      %dma_wait3A_186 = arith.constant 0 : i32
      %dma_wait3A_187 = tpu.memref_slice %dma_wait3A_184[%dma_wait3A_185, %dma_wait3A_186] : memref<80x64xf32, #tpu.memory_space<vmem>> -> memref<40x64xf32, #tpu.memory_space<vmem>>
      %dma_wait3A_188 = arith.constant 0 : i32
      %dma_wait3A_189 = arith.constant 0 : i32
      %dma_wait3A_190 = tpu.memref_slice %arg2[%dma_wait3A_188, %dma_wait3A_189] : memref<160000x128xf32, #tpu.memory_space<hbm>> -> memref<40x64xf32, #tpu.memory_space<hbm>>
      %dma_wait3A_191 = arith.constant 0 : i32
      %dma_wait3A_192 = arith.constant 0 : i32
      %dma_wait3A_193 = tpu.memref_slice %arg10[%rem3A_160, %dma_wait3A_191, %dma_wait3A_192] : memref<4x80x64xf32, #tpu.memory_space<vmem>> -> memref<1x80x64xf32, #tpu.memory_space<vmem>>
      %dma_wait3A_194 = tpu.memref_squeeze %dma_wait3A_193 : memref<1x80x64xf32, #tpu.memory_space<vmem>> -> memref<80x64xf32, #tpu.memory_space<vmem>>
      %dma_wait3A_195 = arith.constant 0 : i32
      %dma_wait3A_196 = arith.constant 0 : i32
      %dma_wait3A_197 = tpu.memref_slice %dma_wait3A_194[%dma_wait3A_195, %dma_wait3A_196] : memref<80x64xf32, #tpu.memory_space<vmem>> -> memref<40x64xf32, #tpu.memory_space<vmem>>
      %dma_wait3A_198 = arith.constant 0 : i32
      %dma_wait3A_199 = arith.constant 0 : i32
      %dma_wait3A_200 = tpu.memref_slice %arg2[%dma_wait3A_198, %dma_wait3A_199] : memref<160000x128xf32, #tpu.memory_space<hbm>> -> memref<40x64xf32, #tpu.memory_space<hbm>>
      tpu.wait_dma2 semaphore(%arg14 : memref<!tpu.dma_semaphore, #tpu.memory_space<semaphore_mem>>) src(%dma_wait3A_200 : memref<40x64xf32, #tpu.memory_space<hbm>>) dst(%dma_wait3A_197 : memref<40x64xf32, #tpu.memory_space<vmem>>)
      %ge3A = arith.constant 1 : i32
      %ge3A_201 = arith.cmpi sge, %add3A_158, %ge3A : i32
      %convert_element_type3A = arith.extui %ge3A_201 : i1 to i32
      %cond3A = arith.constant 0 : i32
      %cond3A_202 = arith.cmpi ne, %convert_element_type3A, %cond3A : i32
      scf.if %cond3A_202 {
        %sub3A = arith.constant 1 : i32
        %sub3A_225 = arith.subi %add3A_158, %sub3A : i32
        %sub3A_226 = arith.constant 1 : i32
        %sub3A_227 = arith.subi %add3A_158, %sub3A_226 : i32
        %rem3A_228 = arith.constant 4 : i32
        %rem3A_229 = arith.remsi %sub3A_227, %rem3A_228 : i32
        %dma_wait3A_230 = arith.constant 0 : i32
        %dma_wait3A_231 = arith.constant 0 : i32
        %dma_wait3A_232 = tpu.memref_slice %arg10[%rem3A_229, %dma_wait3A_230, %dma_wait3A_231] : memref<4x80x64xf32, #tpu.memory_space<vmem>> -> memref<1x80x64xf32, #tpu.memory_space<vmem>>
        %dma_wait3A_233 = tpu.memref_squeeze %dma_wait3A_232 : memref<1x80x64xf32, #tpu.memory_space<vmem>> -> memref<80x64xf32, #tpu.memory_space<vmem>>
        %dma_wait3A_234 = arith.constant 0 : i32
        %dma_wait3A_235 = tpu.memref_slice %arg9[%sub3A_225, %dma_wait3A_234] : memref<125x80xi32, #tpu.memory_space<vmem>> -> memref<1x80xi32, #tpu.memory_space<vmem>>
        %dma_wait3A_236 = tpu.memref_squeeze %dma_wait3A_235 : memref<1x80xi32, #tpu.memory_space<vmem>> -> memref<80xi32, #tpu.memory_space<vmem>>
        %dma_wait3A_237 = arith.constant 0 : i32
        %dma_wait3A_238 = arith.constant 0 : i32
        %dma_wait3A_239 = tpu.memref_slice %arg12[%dma_wait3A_237, %dma_wait3A_238] : memref<10000x64xf32, #tpu.memory_space<vmem_shared>> -> memref<10000x64xf32, #tpu.memory_space<vmem_shared>>
        tpu.wait_indirect_dma semaphore(%arg15 : memref<!tpu.dma_semaphore, #tpu.memory_space<semaphore_mem>>) src(%dma_wait3A_233 : memref<80x64xf32, #tpu.memory_space<vmem>>) dst(%dma_wait3A_239 : memref<10000x64xf32, #tpu.memory_space<vmem_shared>>)
        %dma_wait3A_240 = arith.constant 0 : i32
        %dma_wait3A_241 = tpu.memref_slice %arg9[%sub3A_225, %dma_wait3A_240] : memref<125x80xi32, #tpu.memory_space<vmem>> -> memref<1x80xi32, #tpu.memory_space<vmem>>
        %dma_wait3A_242 = tpu.memref_squeeze %dma_wait3A_241 : memref<1x80xi32, #tpu.memory_space<vmem>> -> memref<80xi32, #tpu.memory_space<vmem>>
        %dma_wait3A_243 = arith.constant 0 : i32
        %dma_wait3A_244 = arith.constant 0 : i32
        %dma_wait3A_245 = tpu.memref_slice %arg13[%dma_wait3A_243, %dma_wait3A_244] : memref<10000x16xf32, #tpu.memory_space<vmem_shared>> -> memref<10000x16xf32, #tpu.memory_space<vmem_shared>>
        tpu.wait_indirect_dma semaphore(%arg15 : memref<!tpu.dma_semaphore, #tpu.memory_space<semaphore_mem>>) src(%arg11 : memref<80x16xf32, #tpu.memory_space<vmem>>) dst(%dma_wait3A_245 : memref<10000x16xf32, #tpu.memory_space<vmem_shared>>)
      } else {
      }
      %add3A_203 = arith.constant 3 : i32
      %add3A_204 = arith.addi %add3A_158, %add3A_203 : i32
      %lt3A = arith.constant 125 : i32
      %lt3A_205 = arith.cmpi slt, %add3A_204, %lt3A : i32
      %convert_element_type3A_206 = arith.extui %lt3A_205 : i1 to i32
      %cond3A_207 = arith.constant 0 : i32
      %cond3A_208 = arith.cmpi ne, %convert_element_type3A_206, %cond3A_207 : i32
      scf.if %cond3A_208 {
        %add3A_225 = arith.constant 3 : i32
        %add3A_226 = arith.addi %add3A_158, %add3A_225 : i32
        %add3A_227 = arith.constant 3 : i32
        %add3A_228 = arith.addi %add3A_158, %add3A_227 : i32
        %rem3A_229 = arith.constant 4 : i32
        %rem3A_230 = arith.remsi %add3A_228, %rem3A_229 : i32
        %add3A_231 = arith.addi %mul3A_2, %add3A_226 : i32
        %mul3A_232 = arith.constant 40 : i32
        %mul3A_233 = arith.muli %add3A_231, %mul3A_232 : i32
        %dma_start3A_234 = arith.constant 0 : i32
        %dma_start3A_235 = arith.constant 0 : i32
        %dma_start3A_236 = tpu.memref_slice %arg10[%rem3A_230, %dma_start3A_234, %dma_start3A_235] : memref<4x80x64xf32, #tpu.memory_space<vmem>> -> memref<1x80x64xf32, #tpu.memory_space<vmem>>
        %dma_start3A_237 = tpu.memref_squeeze %dma_start3A_236 : memref<1x80x64xf32, #tpu.memory_space<vmem>> -> memref<80x64xf32, #tpu.memory_space<vmem>>
        %dma_start3A_238 = arith.constant 0 : i32
        %dma_start3A_239 = arith.constant 0 : i32
        %dma_start3A_240 = tpu.memref_slice %dma_start3A_237[%dma_start3A_238, %dma_start3A_239] : memref<80x64xf32, #tpu.memory_space<vmem>> -> memref<40x64xf32, #tpu.memory_space<vmem>>
        %dma_start3A_241 = arith.constant 0 : i32
        %dma_start3A_242 = tpu.memref_slice %arg2[%mul3A_233, %dma_start3A_241] : memref<160000x128xf32, #tpu.memory_space<hbm>> -> memref<40x64xf32, #tpu.memory_space<hbm>>
        %dma_start3A_243 = arith.constant 0 : i32
        %dma_start3A_244 = arith.constant 0 : i32
        %dma_start3A_245 = tpu.memref_slice %arg10[%rem3A_230, %dma_start3A_243, %dma_start3A_244] : memref<4x80x64xf32, #tpu.memory_space<vmem>> -> memref<1x80x64xf32, #tpu.memory_space<vmem>>
        %dma_start3A_246 = tpu.memref_squeeze %dma_start3A_245 : memref<1x80x64xf32, #tpu.memory_space<vmem>> -> memref<80x64xf32, #tpu.memory_space<vmem>>
        %dma_start3A_247 = arith.constant 0 : i32
        %dma_start3A_248 = arith.constant 0 : i32
        %dma_start3A_249 = tpu.memref_slice %dma_start3A_246[%dma_start3A_247, %dma_start3A_248] : memref<80x64xf32, #tpu.memory_space<vmem>> -> memref<40x64xf32, #tpu.memory_space<vmem>>
        %dma_start3A_250 = arith.constant 0 : i32
        %dma_start3A_251 = tpu.memref_slice %arg2[%mul3A_233, %dma_start3A_250] : memref<160000x128xf32, #tpu.memory_space<hbm>> -> memref<40x64xf32, #tpu.memory_space<hbm>>
        tpu.enqueue_dma source(%dma_start3A_251 : memref<40x64xf32, #tpu.memory_space<hbm>>) target(%dma_start3A_249 : memref<40x64xf32, #tpu.memory_space<vmem>>) target_semaphore(%arg14 : memref<!tpu.dma_semaphore, #tpu.memory_space<semaphore_mem>>)
        %dma_start3A_252 = arith.constant 0 : i32
        %dma_start3A_253 = arith.constant 0 : i32
        %dma_start3A_254 = tpu.memref_slice %arg10[%rem3A_230, %dma_start3A_252, %dma_start3A_253] : memref<4x80x64xf32, #tpu.memory_space<vmem>> -> memref<1x80x64xf32, #tpu.memory_space<vmem>>
        %dma_start3A_255 = tpu.memref_squeeze %dma_start3A_254 : memref<1x80x64xf32, #tpu.memory_space<vmem>> -> memref<80x64xf32, #tpu.memory_space<vmem>>
        %dma_start3A_256 = arith.constant 40 : i32
        %dma_start3A_257 = arith.constant 0 : i32
        %dma_start3A_258 = tpu.memref_slice %dma_start3A_255[%dma_start3A_256, %dma_start3A_257] : memref<80x64xf32, #tpu.memory_space<vmem>> -> memref<40x64xf32, #tpu.memory_space<vmem>>
        %dma_start3A_259 = arith.constant 64 : i32
        %dma_start3A_260 = tpu.memref_slice %arg2[%mul3A_233, %dma_start3A_259] : memref<160000x128xf32, #tpu.memory_space<hbm>> -> memref<40x64xf32, #tpu.memory_space<hbm>>
        %dma_start3A_261 = arith.constant 0 : i32
        %dma_start3A_262 = arith.constant 0 : i32
        %dma_start3A_263 = tpu.memref_slice %arg10[%rem3A_230, %dma_start3A_261, %dma_start3A_262] : memref<4x80x64xf32, #tpu.memory_space<vmem>> -> memref<1x80x64xf32, #tpu.memory_space<vmem>>
        %dma_start3A_264 = tpu.memref_squeeze %dma_start3A_263 : memref<1x80x64xf32, #tpu.memory_space<vmem>> -> memref<80x64xf32, #tpu.memory_space<vmem>>
        %dma_start3A_265 = arith.constant 40 : i32
        %dma_start3A_266 = arith.constant 0 : i32
        %dma_start3A_267 = tpu.memref_slice %dma_start3A_264[%dma_start3A_265, %dma_start3A_266] : memref<80x64xf32, #tpu.memory_space<vmem>> -> memref<40x64xf32, #tpu.memory_space<vmem>>
        %dma_start3A_268 = arith.constant 64 : i32
        %dma_start3A_269 = tpu.memref_slice %arg2[%mul3A_233, %dma_start3A_268] : memref<160000x128xf32, #tpu.memory_space<hbm>> -> memref<40x64xf32, #tpu.memory_space<hbm>>
        tpu.enqueue_dma source(%dma_start3A_269 : memref<40x64xf32, #tpu.memory_space<hbm>>) target(%dma_start3A_267 : memref<40x64xf32, #tpu.memory_space<vmem>>) target_semaphore(%arg14 : memref<!tpu.dma_semaphore, #tpu.memory_space<semaphore_mem>>)
      } else {
      }
      %dma_start3A_209 = arith.constant 0 : i32
      %dma_start3A_210 = arith.constant 0 : i32
      %dma_start3A_211 = tpu.memref_slice %arg10[%rem3A_160, %dma_start3A_209, %dma_start3A_210] : memref<4x80x64xf32, #tpu.memory_space<vmem>> -> memref<1x80x64xf32, #tpu.memory_space<vmem>>
      %dma_start3A_212 = tpu.memref_squeeze %dma_start3A_211 : memref<1x80x64xf32, #tpu.memory_space<vmem>> -> memref<80x64xf32, #tpu.memory_space<vmem>>
      %dma_start3A_213 = arith.constant 0 : i32
      %dma_start3A_214 = tpu.memref_slice %arg9[%add3A_158, %dma_start3A_213] : memref<125x80xi32, #tpu.memory_space<vmem>> -> memref<1x80xi32, #tpu.memory_space<vmem>>
      %dma_start3A_215 = tpu.memref_squeeze %dma_start3A_214 : memref<1x80xi32, #tpu.memory_space<vmem>> -> memref<80xi32, #tpu.memory_space<vmem>>
      %dma_start3A_216 = arith.constant 0 : i32
      %dma_start3A_217 = arith.constant 0 : i32
      %dma_start3A_218 = tpu.memref_slice %arg12[%dma_start3A_216, %dma_start3A_217] : memref<10000x64xf32, #tpu.memory_space<vmem_shared>> -> memref<10000x64xf32, #tpu.memory_space<vmem_shared>>
      tpu.enqueue_indirect_dma source(%dma_start3A_212 : memref<80x64xf32, #tpu.memory_space<vmem>>) target(%dma_start3A_218 : memref<10000x64xf32, #tpu.memory_space<vmem_shared>>) offsets(%dma_start3A_215 : memref<80xi32, #tpu.memory_space<vmem>>) semaphore(%arg15 : memref<!tpu.dma_semaphore, #tpu.memory_space<semaphore_mem>>) {add = true}
      %dma_start3A_219 = arith.constant 0 : i32
      %dma_start3A_220 = tpu.memref_slice %arg9[%add3A_158, %dma_start3A_219] : memref<125x80xi32, #tpu.memory_space<vmem>> -> memref<1x80xi32, #tpu.memory_space<vmem>>
      %dma_start3A_221 = tpu.memref_squeeze %dma_start3A_220 : memref<1x80xi32, #tpu.memory_space<vmem>> -> memref<80xi32, #tpu.memory_space<vmem>>
      %dma_start3A_222 = arith.constant 0 : i32
      %dma_start3A_223 = arith.constant 0 : i32
      %dma_start3A_224 = tpu.memref_slice %arg13[%dma_start3A_222, %dma_start3A_223] : memref<10000x16xf32, #tpu.memory_space<vmem_shared>> -> memref<10000x16xf32, #tpu.memory_space<vmem_shared>>
      tpu.enqueue_indirect_dma source(%arg11 : memref<80x16xf32, #tpu.memory_space<vmem>>) target(%dma_start3A_224 : memref<10000x16xf32, #tpu.memory_space<vmem_shared>>) offsets(%dma_start3A_221 : memref<80xi32, #tpu.memory_space<vmem>>) semaphore(%arg15 : memref<!tpu.dma_semaphore, #tpu.memory_space<semaphore_mem>>) {add = true}
    }
    %scan3A_133 = arith.constant 125 : i32
    %rem3A = arith.constant 124 : i32
    %rem3A_134 = arith.constant 4 : i32
    %rem3A_135 = arith.remsi %rem3A, %rem3A_134 : i32
    %dma_wait3A = arith.constant 124 : i32
    %dma_wait3A_136 = arith.constant 0 : i32
    %dma_wait3A_137 = arith.constant 0 : i32
    %dma_wait3A_138 = tpu.memref_slice %arg10[%rem3A_135, %dma_wait3A_136, %dma_wait3A_137] : memref<4x80x64xf32, #tpu.memory_space<vmem>> -> memref<1x80x64xf32, #tpu.memory_space<vmem>>
    %dma_wait3A_139 = tpu.memref_squeeze %dma_wait3A_138 : memref<1x80x64xf32, #tpu.memory_space<vmem>> -> memref<80x64xf32, #tpu.memory_space<vmem>>
    %dma_wait3A_140 = arith.constant 0 : i32
    %dma_wait3A_141 = tpu.memref_slice %arg9[%dma_wait3A, %dma_wait3A_140] : memref<125x80xi32, #tpu.memory_space<vmem>> -> memref<1x80xi32, #tpu.memory_space<vmem>>
    %dma_wait3A_142 = tpu.memref_squeeze %dma_wait3A_141 : memref<1x80xi32, #tpu.memory_space<vmem>> -> memref<80xi32, #tpu.memory_space<vmem>>
    %dma_wait3A_143 = arith.constant 0 : i32
    %dma_wait3A_144 = arith.constant 0 : i32
    %dma_wait3A_145 = tpu.memref_slice %arg12[%dma_wait3A_143, %dma_wait3A_144] : memref<10000x64xf32, #tpu.memory_space<vmem_shared>> -> memref<10000x64xf32, #tpu.memory_space<vmem_shared>>
    tpu.wait_indirect_dma semaphore(%arg15 : memref<!tpu.dma_semaphore, #tpu.memory_space<semaphore_mem>>) src(%dma_wait3A_139 : memref<80x64xf32, #tpu.memory_space<vmem>>) dst(%dma_wait3A_145 : memref<10000x64xf32, #tpu.memory_space<vmem_shared>>)
    %dma_wait3A_146 = arith.constant 124 : i32
    %dma_wait3A_147 = arith.constant 0 : i32
    %dma_wait3A_148 = tpu.memref_slice %arg9[%dma_wait3A_146, %dma_wait3A_147] : memref<125x80xi32, #tpu.memory_space<vmem>> -> memref<1x80xi32, #tpu.memory_space<vmem>>
    %dma_wait3A_149 = tpu.memref_squeeze %dma_wait3A_148 : memref<1x80xi32, #tpu.memory_space<vmem>> -> memref<80xi32, #tpu.memory_space<vmem>>
    %dma_wait3A_150 = arith.constant 0 : i32
    %dma_wait3A_151 = arith.constant 0 : i32
    %dma_wait3A_152 = tpu.memref_slice %arg13[%dma_wait3A_150, %dma_wait3A_151] : memref<10000x16xf32, #tpu.memory_space<vmem_shared>> -> memref<10000x16xf32, #tpu.memory_space<vmem_shared>>
    tpu.wait_indirect_dma semaphore(%arg15 : memref<!tpu.dma_semaphore, #tpu.memory_space<semaphore_mem>>) src(%arg11 : memref<80x16xf32, #tpu.memory_space<vmem>>) dst(%dma_wait3A_152 : memref<10000x16xf32, #tpu.memory_space<vmem_shared>>)
    %barrier3A_153 = arith.constant 0 : index
    tpu.barrier barrier_id(%barrier3A_153)
    "tpu.region"() ({
      %run_scoped3A = tpu.sem_alloc : memref<!tpu.dma_semaphore, #tpu.memory_space<semaphore_mem>>
      %dma_start3A_154 = arith.constant 0 : i32
      %dma_start3A_155 = arith.constant 0 : i32
      %dma_start3A_156 = tpu.memref_slice %arg7[%arg0, %dma_start3A_154, %dma_start3A_155] : memref<2x10000x64xf32, #tpu.memory_space<hbm>> -> memref<1x10000x64xf32, #tpu.memory_space<hbm>>
      %dma_start3A_157 = tpu.memref_squeeze %dma_start3A_156 : memref<1x10000x64xf32, #tpu.memory_space<hbm>> -> memref<10000x64xf32, #tpu.memory_space<hbm>>
      %dma_start3A_158 = arith.constant 0 : i32
      %dma_start3A_159 = tpu.memref_slice %dma_start3A_157[%mul3A_4, %dma_start3A_158] : memref<10000x64xf32, #tpu.memory_space<hbm>> -> memref<625x64xf32, #tpu.memory_space<hbm>>
      %dma_start3A_160 = arith.constant 0 : i32
      %dma_start3A_161 = tpu.memref_slice %arg12[%mul3A_4, %dma_start3A_160] : memref<10000x64xf32, #tpu.memory_space<vmem_shared>> -> memref<625x64xf32, #tpu.memory_space<vmem_shared>>
      tpu.enqueue_dma source(%dma_start3A_161 : memref<625x64xf32, #tpu.memory_space<vmem_shared>>) target(%dma_start3A_159 : memref<625x64xf32, #tpu.memory_space<hbm>>) target_semaphore(%run_scoped3A : memref<!tpu.dma_semaphore, #tpu.memory_space<semaphore_mem>>)
      %dma_wait3A_162 = arith.constant 0 : i32
      %dma_wait3A_163 = arith.constant 0 : i32
      %dma_wait3A_164 = tpu.memref_slice %arg7[%arg0, %dma_wait3A_162, %dma_wait3A_163] : memref<2x10000x64xf32, #tpu.memory_space<hbm>> -> memref<1x10000x64xf32, #tpu.memory_space<hbm>>
      %dma_wait3A_165 = tpu.memref_squeeze %dma_wait3A_164 : memref<1x10000x64xf32, #tpu.memory_space<hbm>> -> memref<10000x64xf32, #tpu.memory_space<hbm>>
      %dma_wait3A_166 = arith.constant 0 : i32
      %dma_wait3A_167 = tpu.memref_slice %dma_wait3A_165[%mul3A_4, %dma_wait3A_166] : memref<10000x64xf32, #tpu.memory_space<hbm>> -> memref<625x64xf32, #tpu.memory_space<hbm>>
      %dma_wait3A_168 = arith.constant 0 : i32
      %dma_wait3A_169 = tpu.memref_slice %arg12[%mul3A_4, %dma_wait3A_168] : memref<10000x64xf32, #tpu.memory_space<vmem_shared>> -> memref<625x64xf32, #tpu.memory_space<vmem_shared>>
      tpu.wait_dma2 semaphore(%run_scoped3A : memref<!tpu.dma_semaphore, #tpu.memory_space<semaphore_mem>>) src(%dma_wait3A_169 : memref<625x64xf32, #tpu.memory_space<vmem_shared>>) dst(%dma_wait3A_167 : memref<625x64xf32, #tpu.memory_space<hbm>>)
      tpu.yield
    }) : () -> ()
    "tpu.region"() ({
      %run_scoped3A = tpu.sem_alloc : memref<!tpu.dma_semaphore, #tpu.memory_space<semaphore_mem>>
      %dma_start3A_154 = arith.constant 0 : i32
      %dma_start3A_155 = arith.constant 0 : i32
      %dma_start3A_156 = tpu.memref_slice %arg8[%arg0, %dma_start3A_154, %dma_start3A_155] : memref<2x10000x16xf32, #tpu.memory_space<hbm>> -> memref<1x10000x16xf32, #tpu.memory_space<hbm>>
      %dma_start3A_157 = tpu.memref_squeeze %dma_start3A_156 : memref<1x10000x16xf32, #tpu.memory_space<hbm>> -> memref<10000x16xf32, #tpu.memory_space<hbm>>
      %dma_start3A_158 = arith.constant 0 : i32
      %dma_start3A_159 = tpu.memref_slice %dma_start3A_157[%mul3A_4, %dma_start3A_158] : memref<10000x16xf32, #tpu.memory_space<hbm>> -> memref<625x16xf32, #tpu.memory_space<hbm>>
      %dma_start3A_160 = arith.constant 0 : i32
      %dma_start3A_161 = tpu.memref_slice %arg13[%mul3A_4, %dma_start3A_160] : memref<10000x16xf32, #tpu.memory_space<vmem_shared>> -> memref<625x16xf32, #tpu.memory_space<vmem_shared>>
      tpu.enqueue_dma source(%dma_start3A_161 : memref<625x16xf32, #tpu.memory_space<vmem_shared>>) target(%dma_start3A_159 : memref<625x16xf32, #tpu.memory_space<hbm>>) target_semaphore(%run_scoped3A : memref<!tpu.dma_semaphore, #tpu.memory_space<semaphore_mem>>)
      %dma_wait3A_162 = arith.constant 0 : i32
      %dma_wait3A_163 = arith.constant 0 : i32
      %dma_wait3A_164 = tpu.memref_slice %arg8[%arg0, %dma_wait3A_162, %dma_wait3A_163] : memref<2x10000x16xf32, #tpu.memory_space<hbm>> -> memref<1x10000x16xf32, #tpu.memory_space<hbm>>
      %dma_wait3A_165 = tpu.memref_squeeze %dma_wait3A_164 : memref<1x10000x16xf32, #tpu.memory_space<hbm>> -> memref<10000x16xf32, #tpu.memory_space<hbm>>
      %dma_wait3A_166 = arith.constant 0 : i32
      %dma_wait3A_167 = tpu.memref_slice %dma_wait3A_165[%mul3A_4, %dma_wait3A_166] : memref<10000x16xf32, #tpu.memory_space<hbm>> -> memref<625x16xf32, #tpu.memory_space<hbm>>
      %dma_wait3A_168 = arith.constant 0 : i32
      %dma_wait3A_169 = tpu.memref_slice %arg13[%mul3A_4, %dma_wait3A_168] : memref<10000x16xf32, #tpu.memory_space<vmem_shared>> -> memref<625x16xf32, #tpu.memory_space<vmem_shared>>
      tpu.wait_dma2 semaphore(%run_scoped3A : memref<!tpu.dma_semaphore, #tpu.memory_space<semaphore_mem>>) src(%dma_wait3A_169 : memref<625x16xf32, #tpu.memory_space<vmem_shared>>) dst(%dma_wait3A_167 : memref<625x16xf32, #tpu.memory_space<hbm>>)
      tpu.yield
    }) : () -> ()
    return
  }
}

module attributes {stable_mosaic.version = 14 : i64} {
  func.func @_xa_body(%arg0: i32, %arg1: memref<2000x128xf32, #tpu.memory_space<vmem>>, %arg2: memref<128x128xf32, #tpu.memory_space<vmem>>, %arg3: memref<1x128xf32, #tpu.memory_space<vmem>>, %arg4: memref<2000x128xf32, #tpu.memory_space<vmem>>) attributes {dimension_semantics = [#tpu.dimension_semantics<arbitrary>], iteration_bounds = array<i64: 5>, scalar_prefetch = 0 : i64, scratch_operands = 0 : i64, tpu.core_type = #tpu.core_type<tc>, window_params = [{transform_indices = @transform_0, window_bounds = array<i64: 2000, 128>}, {pipeline_mode = #tpu.pipeline_mode<synchronous>, transform_indices = @transform_1, window_bounds = array<i64: 128, 128>}, {pipeline_mode = #tpu.pipeline_mode<synchronous>, transform_indices = @transform_2, window_bounds = array<i64: 1, 128>}, {transform_indices = @transform_3, window_bounds = array<i64: 2000, 128>}]} {
    %get3A = arith.constant 0 : index
    %get3A_0 = arith.constant 0 : index
    %get3A_1 = vector.load %arg1[%get3A, %get3A_0] : memref<2000x128xf32, #tpu.memory_space<vmem>>, vector<2000x128xf32>
    %get3A_2 = arith.constant 0 : index
    %get3A_3 = arith.constant 0 : index
    %get3A_4 = vector.load %arg2[%get3A_2, %get3A_3] : memref<128x128xf32, #tpu.memory_space<vmem>>, vector<128x128xf32>
    %dot_general3A = arith.constant dense<0.000000e+00> : vector<2000x128xf32>
    %dot_general3A_5 = tpu.matmul %get3A_1, %get3A_4, %dot_general3A {dimension_numbers = #tpu.dot_dimension_numbers<[1], [0], [0], [1], [0, 0, 1, 1], [], []>, transpose_lhs_hint = false} : vector<2000x128xf32>, vector<128x128xf32>, vector<2000x128xf32> -> vector<2000x128xf32>
    %get3A_6 = arith.constant 0 : index
    %get3A_7 = arith.constant 0 : index
    %get3A_8 = vector.load %arg3[%get3A_6, %get3A_7] : memref<1x128xf32, #tpu.memory_space<vmem>>, vector<1x128xf32>
    %add3A = vector.broadcast %get3A_8 : vector<1x128xf32> to vector<2000x128xf32>
    %add3A_9 = arith.addf %dot_general3A_5, %add3A : vector<2000x128xf32>
    %swap3A = arith.constant 0 : index
    %swap3A_10 = arith.constant 0 : index
    %swap3A_11 = vector.load %arg4[%swap3A, %swap3A_10] : memref<2000x128xf32, #tpu.memory_space<vmem>>, vector<2000x128xf32>
    tpu.vector_store %arg4[%swap3A, %swap3A_10], %add3A_9 {strides = array<i32>} : memref<2000x128xf32, #tpu.memory_space<vmem>>, vector<2000x128xf32>,
    return
  }
  func.func @transform_0(%arg0: i32) -> (i32, i32) {
    %c0_i32 = arith.constant 0 : i32
    %c0_i32_0 = arith.constant 0 : i32
    return %arg0, %c0_i32 : i32, i32
  }
  func.func @transform_1(%arg0: i32) -> (i32, i32) {
    %c0_i32 = arith.constant 0 : i32
    %c0_i32_0 = arith.constant 0 : i32
    %c0_i32_1 = arith.constant 0 : i32
    return %c0_i32, %c0_i32_0 : i32, i32
  }
  func.func @transform_2(%arg0: i32) -> (i32, i32) {
    %c0_i32 = arith.constant 0 : i32
    %c0_i32_0 = arith.constant 0 : i32
    %c0_i32_1 = arith.constant 0 : i32
    return %c0_i32, %c0_i32_0 : i32, i32
  }
  func.func @transform_3(%arg0: i32) -> (i32, i32) {
    %c0_i32 = arith.constant 0 : i32
    %c0_i32_0 = arith.constant 0 : i32
    return %arg0, %c0_i32 : i32, i32
  }
}

module attributes {stable_mosaic.version = 14 : i64} {
  func.func @_h_body(%arg0: i32, %arg1: memref<4000x128xf32, #tpu.memory_space<vmem>>, %arg2: memref<4000x16xf32, #tpu.memory_space<vmem>>, %arg3: memref<16x64xf32, #tpu.memory_space<vmem>>, %arg4: memref<2000x128xf32, #tpu.memory_space<vmem>>) attributes {dimension_semantics = [#tpu.dimension_semantics<arbitrary>], iteration_bounds = array<i64: 80>, scalar_prefetch = 0 : i64, scratch_operands = 0 : i64, tpu.core_type = #tpu.core_type<tc>, window_params = [{transform_indices = @transform_0, window_bounds = array<i64: 4000, 128>}, {transform_indices = @transform_1, window_bounds = array<i64: 4000, 16>}, {pipeline_mode = #tpu.pipeline_mode<synchronous>, transform_indices = @transform_2, window_bounds = array<i64: 16, 64>}, {transform_indices = @transform_3, window_bounds = array<i64: 2000, 128>}]} {
    %get3A = arith.constant 0 : index
    %get3A_0 = arith.constant 0 : index
    %get3A_1 = vector.load %arg2[%get3A, %get3A_0] : memref<4000x16xf32, #tpu.memory_space<vmem>>, vector<4000x16xf32>
    %get3A_2 = arith.constant 0 : index
    %get3A_3 = arith.constant 0 : index
    %get3A_4 = vector.load %arg3[%get3A_2, %get3A_3] : memref<16x64xf32, #tpu.memory_space<vmem>>, vector<16x64xf32>
    %dot_general3A = arith.constant dense<0.000000e+00> : vector<4000x64xf32>
    %dot_general3A_5 = tpu.matmul %get3A_1, %get3A_4, %dot_general3A {dimension_numbers = #tpu.dot_dimension_numbers<[1], [0], [0], [1], [0, 0, 1, 1], [], []>, transpose_lhs_hint = false} : vector<4000x16xf32>, vector<16x64xf32>, vector<4000x64xf32> -> vector<4000x64xf32>
    %get3A_6 = arith.constant 0 : index
    %get3A_7 = arith.constant 0 : index
    %get3A_8 = vector.load %arg1[%get3A_6, %get3A_7] : memref<4000x128xf32, #tpu.memory_space<vmem>>, vector<4000x64xf32>
    %add3A = arith.addf %get3A_8, %dot_general3A_5 : vector<4000x64xf32>
    %gt3A = arith.constant 0.000000e+00 : f32
    %gt3A_9 = vector.broadcast %gt3A : f32 to vector<4000x64xf32>
    %gt3A_10 = arith.cmpf ogt, %add3A, %gt3A_9 : vector<4000x64xf32>
    %min3A = arith.constant 0.000000e+00 : f32
    %min3A_11 = vector.broadcast %min3A : f32 to vector<4000x64xf32>
    %min3A_12 = arith.minimumf %add3A, %min3A_11 : vector<4000x64xf32>
    %exp3A = math.exp %min3A_12 : vector<4000x64xf32>
    %sub3A = arith.constant 1.000000e+00 : f32
    %sub3A_13 = vector.broadcast %sub3A : f32 to vector<4000x64xf32>
    %sub3A_14 = arith.subf %exp3A, %sub3A_13 : vector<4000x64xf32>
    %select_n3A = arith.select %gt3A_10, %add3A, %sub3A_14 : vector<4000x64xi1>, vector<4000x64xf32>
    %reshape3A = vector.shape_cast %select_n3A : vector<4000x64xf32> to vector<50x2x40x64xf32>
    %slice3A = vector.extract_strided_slice %reshape3A {offsets = [0, 0, 0, 0], sizes = [50, 1, 40, 64], strides = [1, 1, 1, 1]} : vector<50x2x40x64xf32> to vector<50x1x40x64xf32>
    %squeeze3A = vector.shape_cast %slice3A : vector<50x1x40x64xf32> to vector<50x40x64xf32>
    %slice3A_15 = vector.extract_strided_slice %reshape3A {offsets = [0, 1, 0, 0], sizes = [50, 1, 40, 64], strides = [1, 1, 1, 1]} : vector<50x2x40x64xf32> to vector<50x1x40x64xf32>
    %squeeze3A_16 = vector.shape_cast %slice3A_15 : vector<50x1x40x64xf32> to vector<50x40x64xf32>
    %concatenate3A = tpu.concatenate %squeeze3A, %squeeze3A_16 in 2 : vector<50x40x64xf32>, vector<50x40x64xf32> -> vector<50x40x128xf32>
    %reshape3A_17 = vector.shape_cast %concatenate3A : vector<50x40x128xf32> to vector<2000x128xf32>
    %swap3A = arith.constant 0 : index
    %swap3A_18 = arith.constant 0 : index
    %swap3A_19 = vector.load %arg4[%swap3A, %swap3A_18] : memref<2000x128xf32, #tpu.memory_space<vmem>>, vector<2000x128xf32>
    tpu.vector_store %arg4[%swap3A, %swap3A_18], %reshape3A_17 {strides = array<i32>} : memref<2000x128xf32, #tpu.memory_space<vmem>>, vector<2000x128xf32>,
    return
  }
  func.func @transform_0(%arg0: i32) -> (i32, i32) {
    %c0_i32 = arith.constant 0 : i32
    %c0_i32_0 = arith.constant 0 : i32
    return %arg0, %c0_i32 : i32, i32
  }
  func.func @transform_1(%arg0: i32) -> (i32, i32) {
    %c0_i32 = arith.constant 0 : i32
    %c0_i32_0 = arith.constant 0 : i32
    return %arg0, %c0_i32 : i32, i32
  }
  func.func @transform_2(%arg0: i32) -> (i32, i32) {
    %c0_i32 = arith.constant 0 : i32
    %c0_i32_0 = arith.constant 0 : i32
    %c0_i32_1 = arith.constant 0 : i32
    return %c0_i32, %c0_i32_0 : i32, i32
  }
  func.func @transform_3(%arg0: i32) -> (i32, i32) {
    %c0_i32 = arith.constant 0 : i32
    %c0_i32_0 = arith.constant 0 : i32
    return %arg0, %c0_i32 : i32, i32
  }
}

module attributes {stable_mosaic.version = 14 : i64} {
  func.func @_out_body(%arg0: i32, %arg1: memref<2000x128xf32, #tpu.memory_space<vmem>>, %arg2: memref<2000x64xf32, #tpu.memory_space<vmem>>, %arg3: memref<2000x64xf32, #tpu.memory_space<vmem>>, %arg4: memref<2000x16xf32, #tpu.memory_space<vmem>>, %arg5: memref<2000x16xf32, #tpu.memory_space<vmem>>, %arg6: memref<64x64xf32, #tpu.memory_space<vmem>>, %arg7: memref<1x64xf32, #tpu.memory_space<vmem>>, %arg8: memref<128x64xf32, #tpu.memory_space<vmem>>, %arg9: memref<64x64xf32, #tpu.memory_space<vmem>>, %arg10: memref<1x64xf32, #tpu.memory_space<vmem>>, %arg11: memref<64x128xf32, #tpu.memory_space<vmem>>, %arg12: memref<1x128xf32, #tpu.memory_space<vmem>>, %arg13: memref<2000x128xf32, #tpu.memory_space<vmem>>) attributes {dimension_semantics = [#tpu.dimension_semantics<arbitrary>], iteration_bounds = array<i64: 5>, scalar_prefetch = 0 : i64, scratch_operands = 0 : i64, tpu.core_type = #tpu.core_type<tc>, window_params = [{transform_indices = @transform_0, window_bounds = array<i64: 2000, 128>}, {transform_indices = @transform_1, window_bounds = array<i64: 2000, 64>}, {transform_indices = @transform_2, window_bounds = array<i64: 2000, 64>}, {transform_indices = @transform_3, window_bounds = array<i64: 2000, 16>}, {transform_indices = @transform_4, window_bounds = array<i64: 2000, 16>}, {pipeline_mode = #tpu.pipeline_mode<synchronous>, transform_indices = @transform_5, window_bounds = array<i64: 64, 64>}, {pipeline_mode = #tpu.pipeline_mode<synchronous>, transform_indices = @transform_6, window_bounds = array<i64: 1, 64>}, {pipeline_mode = #tpu.pipeline_mode<synchronous>, transform_indices = @transform_7, window_bounds = array<i64: 128, 64>}, {pipeline_mode = #tpu.pipeline_mode<synchronous>, transform_indices = @transform_8, window_bounds = array<i64: 64, 64>}, {pipeline_mode = #tpu.pipeline_mode<synchronous>, transform_indices = @transform_9, window_bounds = array<i64: 1, 64>}, {pipeline_mode = #tpu.pipeline_mode<synchronous>, transform_indices = @transform_10, window_bounds = array<i64: 64, 128>}, {pipeline_mode = #tpu.pipeline_mode<synchronous>, transform_indices = @transform_11, window_bounds = array<i64: 1, 128>}, {transform_indices = @transform_12, window_bounds = array<i64: 2000, 128>}]} {
    %get3A = arith.constant 0 : index
    %get3A_0 = arith.constant 0 : index
    %get3A_1 = vector.load %arg2[%get3A, %get3A_0] : memref<2000x64xf32, #tpu.memory_space<vmem>>, vector<2000x64xf32>
    %get3A_2 = arith.constant 0 : index
    %get3A_3 = arith.constant 0 : index
    %get3A_4 = vector.load %arg3[%get3A_2, %get3A_3] : memref<2000x64xf32, #tpu.memory_space<vmem>>, vector<2000x64xf32>
    %add3A = arith.addf %get3A_1, %get3A_4 : vector<2000x64xf32>
    %get3A_5 = arith.constant 0 : index
    %get3A_6 = arith.constant 0 : index
    %get3A_7 = vector.load %arg4[%get3A_5, %get3A_6] : memref<2000x16xf32, #tpu.memory_space<vmem>>, vector<2000x16xf32>
    %get3A_8 = arith.constant 0 : index
    %get3A_9 = arith.constant 0 : index
    %get3A_10 = vector.load %arg5[%get3A_8, %get3A_9] : memref<2000x16xf32, #tpu.memory_space<vmem>>, vector<2000x16xf32>
    %add3A_11 = arith.addf %get3A_7, %get3A_10 : vector<2000x16xf32>
    %slice3A = vector.extract_strided_slice %add3A_11 {offsets = [0, 0], sizes = [2000, 1], strides = [1, 1]} : vector<2000x16xf32> to vector<2000x1xf32>
    %max3A = arith.constant 1.000000e+00 : f32
    %max3A_12 = vector.broadcast %max3A : f32 to vector<2000x1xf32>
    %max3A_13 = arith.maximumf %slice3A, %max3A_12 : vector<2000x1xf32>
    %div3A = vector.broadcast %max3A_13 : vector<2000x1xf32> to vector<2000x64xf32>
    %div3A_14 = arith.divf %add3A, %div3A : vector<2000x64xf32>
    %gt3A = arith.constant 0.000000e+00 : f32
    %gt3A_15 = vector.broadcast %gt3A : f32 to vector<2000x1xf32>
    %gt3A_16 = arith.cmpf ogt, %slice3A, %gt3A_15 : vector<2000x1xf32>
    %convert_element_type3A = arith.extui %gt3A_16 : vector<2000x1xi1> to vector<2000x1xi32>
    %convert_element_type3A_17 = arith.sitofp %convert_element_type3A : vector<2000x1xi32> to vector<2000x1xf32>
    %get3A_18 = arith.constant 0 : index
    %get3A_19 = arith.constant 0 : index
    %get3A_20 = vector.load %arg6[%get3A_18, %get3A_19] : memref<64x64xf32, #tpu.memory_space<vmem>>, vector<64x64xf32>
    %dot_general3A = arith.constant dense<0.000000e+00> : vector<2000x64xf32>
    %dot_general3A_21 = tpu.matmul %div3A_14, %get3A_20, %dot_general3A {dimension_numbers = #tpu.dot_dimension_numbers<[1], [0], [0], [1], [0, 0, 1, 1], [], []>, transpose_lhs_hint = false} : vector<2000x64xf32>, vector<64x64xf32>, vector<2000x64xf32> -> vector<2000x64xf32>
    %get3A_22 = arith.constant 0 : index
    %get3A_23 = arith.constant 0 : index
    %get3A_24 = vector.load %arg7[%get3A_22, %get3A_23] : memref<1x64xf32, #tpu.memory_space<vmem>>, vector<1x64xf32>
    %mul3A = vector.broadcast %get3A_24 : vector<1x64xf32> to vector<2000x64xf32>
    %mul3A_25 = vector.broadcast %convert_element_type3A_17 : vector<2000x1xf32> to vector<2000x64xf32>
    %mul3A_26 = arith.mulf %mul3A, %mul3A_25 : vector<2000x64xf32>
    %add3A_27 = arith.addf %dot_general3A_21, %mul3A_26 : vector<2000x64xf32>
    %get3A_28 = arith.constant 0 : index
    %get3A_29 = arith.constant 0 : index
    %get3A_30 = vector.load %arg1[%get3A_28, %get3A_29] : memref<2000x128xf32, #tpu.memory_space<vmem>>, vector<2000x128xf32>
    %get3A_31 = arith.constant 0 : index
    %get3A_32 = arith.constant 0 : index
    %get3A_33 = vector.load %arg8[%get3A_31, %get3A_32] : memref<128x64xf32, #tpu.memory_space<vmem>>, vector<128x64xf32>
    %dot_general3A_34 = arith.constant dense<0.000000e+00> : vector<2000x64xf32>
    %dot_general3A_35 = tpu.matmul %get3A_30, %get3A_33, %dot_general3A_34 {dimension_numbers = #tpu.dot_dimension_numbers<[1], [0], [0], [1], [0, 0, 1, 1], [], []>, transpose_lhs_hint = false} : vector<2000x128xf32>, vector<128x64xf32>, vector<2000x64xf32> -> vector<2000x64xf32>
    %get3A_36 = arith.constant 0 : index
    %get3A_37 = arith.constant 0 : index
    %get3A_38 = vector.load %arg9[%get3A_36, %get3A_37] : memref<64x64xf32, #tpu.memory_space<vmem>>, vector<64x64xf32>
    %dot_general3A_39 = arith.constant dense<0.000000e+00> : vector<2000x64xf32>
    %dot_general3A_40 = tpu.matmul %add3A_27, %get3A_38, %dot_general3A_39 {dimension_numbers = #tpu.dot_dimension_numbers<[1], [0], [0], [1], [0, 0, 1, 1], [], []>, transpose_lhs_hint = false} : vector<2000x64xf32>, vector<64x64xf32>, vector<2000x64xf32> -> vector<2000x64xf32>
    %add3A_41 = arith.addf %dot_general3A_35, %dot_general3A_40 : vector<2000x64xf32>
    %get3A_42 = arith.constant 0 : index
    %get3A_43 = arith.constant 0 : index
    %get3A_44 = vector.load %arg10[%get3A_42, %get3A_43] : memref<1x64xf32, #tpu.memory_space<vmem>>, vector<1x64xf32>
    %add3A_45 = vector.broadcast %get3A_44 : vector<1x64xf32> to vector<2000x64xf32>
    %add3A_46 = arith.addf %add3A_41, %add3A_45 : vector<2000x64xf32>
    %gt3A_47 = arith.constant 0.000000e+00 : f32
    %gt3A_48 = vector.broadcast %gt3A_47 : f32 to vector<2000x64xf32>
    %gt3A_49 = arith.cmpf ogt, %add3A_46, %gt3A_48 : vector<2000x64xf32>
    %min3A = arith.constant 0.000000e+00 : f32
    %min3A_50 = vector.broadcast %min3A : f32 to vector<2000x64xf32>
    %min3A_51 = arith.minimumf %add3A_46, %min3A_50 : vector<2000x64xf32>
    %exp3A = math.exp %min3A_51 : vector<2000x64xf32>
    %sub3A = arith.constant 1.000000e+00 : f32
    %sub3A_52 = vector.broadcast %sub3A : f32 to vector<2000x64xf32>
    %sub3A_53 = arith.subf %exp3A, %sub3A_52 : vector<2000x64xf32>
    %select_n3A = arith.select %gt3A_49, %add3A_46, %sub3A_53 : vector<2000x64xi1>, vector<2000x64xf32>
    %get3A_54 = arith.constant 0 : index
    %get3A_55 = arith.constant 0 : index
    %get3A_56 = vector.load %arg11[%get3A_54, %get3A_55] : memref<64x128xf32, #tpu.memory_space<vmem>>, vector<64x128xf32>
    %dot_general3A_57 = arith.constant dense<0.000000e+00> : vector<2000x128xf32>
    %dot_general3A_58 = tpu.matmul %select_n3A, %get3A_56, %dot_general3A_57 {dimension_numbers = #tpu.dot_dimension_numbers<[1], [0], [0], [1], [0, 0, 1, 1], [], []>, transpose_lhs_hint = false} : vector<2000x64xf32>, vector<64x128xf32>, vector<2000x128xf32> -> vector<2000x128xf32>
    %get3A_59 = arith.constant 0 : index
    %get3A_60 = arith.constant 0 : index
    %get3A_61 = vector.load %arg12[%get3A_59, %get3A_60] : memref<1x128xf32, #tpu.memory_space<vmem>>, vector<1x128xf32>
    %add3A_62 = vector.broadcast %get3A_61 : vector<1x128xf32> to vector<2000x128xf32>
    %add3A_63 = arith.addf %dot_general3A_58, %add3A_62 : vector<2000x128xf32>
    %swap3A = arith.constant 0 : index
    %swap3A_64 = arith.constant 0 : index
    %swap3A_65 = vector.load %arg13[%swap3A, %swap3A_64] : memref<2000x128xf32, #tpu.memory_space<vmem>>, vector<2000x128xf32>
    tpu.vector_store %arg13[%swap3A, %swap3A_64], %add3A_63 {strides = array<i32>} : memref<2000x128xf32, #tpu.memory_space<vmem>>, vector<2000x128xf32>,
    return
  }
  func.func @transform_0(%arg0: i32) -> (i32, i32) {
    %c0_i32 = arith.constant 0 : i32
    %c0_i32_0 = arith.constant 0 : i32
    return %arg0, %c0_i32 : i32, i32
  }
  func.func @transform_1(%arg0: i32) -> (i32, i32) {
    %c0_i32 = arith.constant 0 : i32
    %c0_i32_0 = arith.constant 0 : i32
    return %arg0, %c0_i32 : i32, i32
  }
  func.func @transform_2(%arg0: i32) -> (i32, i32) {
    %c0_i32 = arith.constant 0 : i32
    %c0_i32_0 = arith.constant 0 : i32
    return %arg0, %c0_i32 : i32, i32
  }
  func.func @transform_3(%arg0: i32) -> (i32, i32) {
    %c0_i32 = arith.constant 0 : i32
    %c0_i32_0 = arith.constant 0 : i32
    return %arg0, %c0_i32 : i32, i32
  }
  func.func @transform_4(%arg0: i32) -> (i32, i32) {
    %c0_i32 = arith.constant 0 : i32
    %c0_i32_0 = arith.constant 0 : i32
    return %arg0, %c0_i32 : i32, i32
  }
  func.func @transform_5(%arg0: i32) -> (i32, i32) {
    %c0_i32 = arith.constant 0 : i32
    %c0_i32_0 = arith.constant 0 : i32
    %c0_i32_1 = arith.constant 0 : i32
    return %c0_i32, %c0_i32_0 : i32, i32
  }
  func.func @transform_6(%arg0: i32) -> (i32, i32) {
    %c0_i32 = arith.constant 0 : i32
    %c0_i32_0 = arith.constant 0 : i32
    %c0_i32_1 = arith.constant 0 : i32
    return %c0_i32, %c0_i32_0 : i32, i32
  }
  func.func @transform_7(%arg0: i32) -> (i32, i32) {
    %c0_i32 = arith.constant 0 : i32
    %c0_i32_0 = arith.constant 0 : i32
    %c0_i32_1 = arith.constant 0 : i32
    return %c0_i32, %c0_i32_0 : i32, i32
  }
  func.func @transform_8(%arg0: i32) -> (i32, i32) {
    %c0_i32 = arith.constant 0 : i32
    %c0_i32_0 = arith.constant 0 : i32
    %c0_i32_1 = arith.constant 0 : i32
    return %c0_i32, %c0_i32_0 : i32, i32
  }
  func.func @transform_9(%arg0: i32) -> (i32, i32) {
    %c0_i32 = arith.constant 0 : i32
    %c0_i32_0 = arith.constant 0 : i32
    %c0_i32_1 = arith.constant 0 : i32
    return %c0_i32, %c0_i32_0 : i32, i32
  }
  func.func @transform_10(%arg0: i32) -> (i32, i32) {
    %c0_i32 = arith.constant 0 : i32
    %c0_i32_0 = arith.constant 0 : i32
    %c0_i32_1 = arith.constant 0 : i32
    return %c0_i32, %c0_i32_0 : i32, i32
  }
  func.func @transform_11(%arg0: i32) -> (i32, i32) {
    %c0_i32 = arith.constant 0 : i32
    %c0_i32_0 = arith.constant 0 : i32
    %c0_i32_1 = arith.constant 0 : i32
    return %c0_i32, %c0_i32_0 : i32, i32
  }
  func.func @transform_12(%arg0: i32) -> (i32, i32) {
    %c0_i32 = arith.constant 0 : i32
    %c0_i32_0 = arith.constant 0 : i32
    return %arg0, %c0_i32 : i32, i32
  }
}

</mosaic_0001>

<sc_bundles>
// kernel: kernel.10.cloned.1.call-start
scs
__scs_entry_jumppad:
0x0: {  	(pc) =	sbr.rel $0x88, $3  }
0x1: {  	(tag) =	ssettag $0x0;
	lr =	simm.s32 $0x1  }
0x2: {  	[smem:$0x3F96] =	sst lr;
	_ =	strace $0xD0000000  }
0x3: {  	_ = 	snop  }
0x4: {  	_ = 	snop  }
0x5: {  	_ = 	snop  }
0x6: {  	_ = 	snop  }
0x7: {  	_ = 	snop  }
__scs_overlays_trampoline_lowered:
0x8: {  	[smem:$0x3FA5] =	sst s0  }
0x9: {  	[smem:$0x3FA6] =	sst s1  }
0xa: {  	[smem:$0x3FA7] =	sst s2  }
0xb: {  	[smem:$0x3FA8] =	sst s3  }
0xc: {  	[smem:$0x3FA9] =	sst s4  }
0xd: {  	[smem:$0x3FAA] =	sst s5  }
0xe: {  	[smem:$0x3FAB] =	sst s6  }
0xf: {  	[smem:$0x3FAC] =	sst s7  }
0x10: {  	[smem:$0x3FAD] =	sst s8  }
0x11: {  	[smem:$0x3FAE] =	sst s9;
	s0 =	simm.s32 @!p0 $0x0  }
0x12: {  	s1 =	sld [smem:$0x3F94];
	s0 =	simm.s32 @p0 $0x1  }
0x13: {  	[smem:$0x3FAF] =	sst s0;
	s0 =	simm.s32 @!p1 $0x0  }
0x14: {  	s2 =	sld [smem:$0x3F93];
	s0 =	simm.s32 @p1 $0x1  }
0x15: {  	[smem:$0x3FB0] =	sst s0;
	s0 =	simm.s32 @!p2 $0x0  }
0x16: {  	s3 =	sld [smem:$0x3FDB];
	s0 =	simm.s32 @p2 $0x1  }
0x17: {  	s4 =	simm.s32 $0x1BF5;
	[smem:$0x3FB2] =	sst s0  }
0x18: {  	s0 =	sld [smem:$0x3F95];
	_ =	swait.ge [sflag:s4], $0x0  }
0x19: {  	s7 =	sld [smem:$0x3F96]  }
0x1a: {  	s8 =	sadd.s32 $0xFFFFE003, lr  }
0x1b: {  	s9 =	sadd.s32 $0xFFFFFEF7, lr;
	s5 =	simm.s32 $0xFFFFFFFF;
	p2 =	slt.u32 s8, $0xFFFFF086  }
0x1c: {  	p1 =	slt.u32 s9, $0xF7A;
	s5 =	simm.s32 @!p2 $0x0  }
0x1d: {  	s5 =	simm.s32 @p1 $0x1;
	p0 =	seq.s32 s7, s2  }
0x1e: {  	s7 =	smul.u32 @!p0 $0xF7A, s2;
	p2 =	seq.s32 @!p0 s5, $0x0  }
0x1f: {  	s9 =	smul.u32 $0xF7A, s1;
	s8 =	simm.s32 @!p0 $0x1BF5;
	p2 =	por !p2, p0  }
0x20: {  	[sflag:s8] =	ssyncset.s32 @!p0 $0xFFFFF086;
	s6 =	sadd.s32 @!p0 s3, s7;
	s7 =	simm.s32 @!p0 $0x108  }
0x21: {  	s3 =	sadd.s32 s3, s9;
	s6 =	sadd.s32 @!p0 $0x88, s6;
	s7 =	simm.s32 @p2 $0x1082  }
0x22: {  	[simem:s7], [sflag:s8] =	dma.local @!p0 [hbm:s6], $0xF7A  }
0x23: {  	s9 =	sor.u32 $0xD0000000, s2;
	s6 =	simm.s32 $0x108;
	_ =	swait.ge @!p0 [sflag:s8], $0x0  }
0x24: {  	s3 =	sadd.s32 $0x88, s3;
	s6 =	simm.s32 @!p1 $0x1082;
	[sflag:s4] =	ssyncset.s32 $0xFFFFF086  }
0x25: {  	[simem:s6], [sflag:s4] =	dma.local [hbm:s3], $0xF7A  }
0x26: {  	[smem:$0x3F96] =	sst s1;
	(tag) =	ssettag s2;
	_ =	strace s9  }
0x27: {  	s1 =	sld [smem:$0x3FA6]  }
0x28: {  	s2 =	sld [smem:$0x3FA7]  }
0x29: {  	s4 =	sld [smem:$0x3FA9]  }
0x2a: {  	p0 =	seq.s32 s5, $0x0;
	s5 =	sld [smem:$0x3FAA]  }
0x2b: {  	s6 =	sld [smem:$0x3FAB]  }
0x2c: {  	s7 =	sld [smem:$0x3FAC]  }
0x2d: {  	s3 =	simm.s32 $0x108;
	s8 =	sld [smem:$0x3FAD]  }
0x2e: {  	s3 =	simm.s32 @!p0 $0x1082;
	s9 =	sld [smem:$0x3FAE]  }
0x2f: {  	lr =	sadd.s32 s0, s3;
	s0 =	sld [smem:$0x3FA5]  }
0x30: {  	s3 =	sld [smem:$0x3FA8]  }
0x31: {  	[smem:$0x3FB1] =	sst s10  }
0x32: {  	s10 =	sld [smem:$0x3FAF];
	_ =	sdelay $0x3  }
0x33: {  	p0 =	seq.s32 s10, $0x1;
	s10 =	sld [smem:$0x3FB1];
	_ =	sdelay $0x3  }
0x34: {  	[smem:$0x3FB1] =	sst s10  }
0x35: {  	s10 =	sld [smem:$0x3FB0];
	_ =	sdelay $0x3  }
0x36: {  	p1 =	seq.s32 s10, $0x1;
	s10 =	sld [smem:$0x3FB1];
	_ =	sdelay $0x3  }
0x37: {  	[smem:$0x3FB1] =	sst s10  }
0x38: {  	s10 =	sld [smem:$0x3FB2]  }
0x39: {  	_ = 	snop;
	(pc) =	sbr.ind lr, $3  }
0x3a: {  	_ = 	snop  }
0x3b: {  	_ = 	snop  }
0x3c: {  	p2 =	seq.s32 s10, $0x1;
	s10 =	sld [smem:$0x3FB1]  }
0x3d: {  	_ =	shalt  }
0x3e: {  	_ =	shalt  }
0x3f: {  	_ =	shalt  }
0x40: {  	_ =	shalt  }
0x41: {  	_ =	shalt  }
0x42: {  	_ =	shalt  }
0x43: {  	_ =	shalt  }
0x44: {  	_ =	shalt  }
0x45: {  	_ =	shalt  }
0x46: {  	_ =	shalt  }
0x47: {  	_ =	shalt  }
0x48: {  	_ =	shalt  }
0x49: {  	_ =	shalt  }
0x4a: {  	_ =	shalt  }
0x4b: {  	_ =	shalt  }
0x4c: {  	_ =	shalt  }
0x4d: {  	_ =	shalt  }
0x4e: {  	_ =	shalt  }
0x4f: {  	_ =	shalt  }
0x50: {  	_ =	shalt  }
0x51: {  	_ =	shalt  }
0x52: {  	_ =	shalt  }
0x53: {  	_ =	shalt  }
0x54: {  	_ =	shalt  }
0x55: {  	_ =	shalt  }
0x56: {  	_ =	shalt  }
0x57: {  	_ =	shalt  }
0x58: {  	_ =	shalt  }
0x59: {  	_ =	shalt  }
0x5a: {  	_ =	shalt  }
0x5b: {  	_ =	shalt  }
0x5c: {  	_ =	shalt  }
0x5d: {  	_ =	shalt  }
0x5e: {  	_ =	shalt  }
0x5f: {  	_ =	shalt  }
0x60: {  	_ =	shalt  }
0x61: {  	_ =	shalt  }
0x62: {  	_ =	shalt  }
0x63: {  	_ =	shalt  }
0x64: {  	_ =	shalt  }
0x65: {  	_ =	shalt  }
0x66: {  	_ =	shalt  }
0x67: {  	_ =	shalt  }
0x68: {  	_ =	shalt  }
0x69: {  	_ =	shalt  }
0x6a: {  	_ =	shalt  }
0x6b: {  	_ =	shalt  }
0x6c: {  	_ =	shalt  }
0x6d: {  	_ =	shalt  }
0x6e: {  	_ =	shalt  }
0x6f: {  	_ =	shalt  }
0x70: {  	_ =	shalt  }
0x71: {  	_ =	shalt  }
0x72: {  	_ =	shalt  }
0x73: {  	_ =	shalt  }
0x74: {  	_ =	shalt  }
0x75: {  	_ =	shalt  }
0x76: {  	_ =	shalt  }
0x77: {  	_ =	shalt  }
0x78: {  	_ =	shalt  }
0x79: {  	_ =	shalt  }
0x7a: {  	_ =	shalt  }
0x7b: {  	_ =	shalt  }
0x7c: {  	_ =	shalt  }
0x7d: {  	_ =	shalt  }
0x7e: {  	_ =	shalt  }
0x7f: {  	_ =	shalt  }
0x80: {  	_ =	shalt  }
0x81: {  	_ =	shalt  }
0x82: {  	_ =	shalt  }
0x83: {  	_ =	shalt  }
0x84: {  	_ =	shalt  }
0x85: {  	_ =	shalt  }
0x86: {  	_ =	shalt  }
0x87: {  	_ =	shalt  }
.Lfunc_end0:
.L_simem_size_0:
called_computation.1_lowered:
.L_overlay_start_0:
0x88: {  	s2 =	sld [smem:$0x3FD9]  }
0x89: {  	s3 =	sld [smem:$0x3FFE];
	_ =	sdelay $0x1  }
0x8a: {  	s1 =	srdreg.scid  }
0x8b: {  	s0 =	sand.u32 $0x1, s1  }
0x8c: {  	s17 =	sshll.u32 s0, $0xA;
	s2 =	sadd.s32 s3, s2  }
0x8d: {  	s2 =	sadd.s32 s2, s17  }
0x8e: {  	[smem:$0x3FBD] =	sst s2  }
0x8f: {  	_ = 	snop  }
0x90: {  	s2 =	sld [smem:$0x3FD0];
	(tm) =	ssettm $0x1  }
0x91: {  	s18 =	sld [smem:$0x3FFB];
	_ =	sdelay $0x3  }
0x92: {  	_ =	strace s18  }
0x93: {  	s3 =	sld [smem:$0x3FFC];
	_ =	sdelay $0x3  }
0x94: {  	_ =	strace s3  }
0x95: {  	s3 =	sld [smem:$0x3FFD];
	_ =	sdelay $0x3  }
0x96: {  	_ =	strace s3  }
0x97: {  	_ =	strace $0x8FFFFFFF  }
0x98: {  	s19 =	sld [smem:$0x3FDB];
	_ =	sdelay $0x1  }
0x99: {  	s4 =	simm.s32 $_scs_section_size  }
0x9a: {  	s5 =	simm.s32 $_size__tile_overlayer_lowered;
	s6 =	simm.s32 $_tile_overlayer_lowered  }
0x9b: {  	s22 =	simm.s32 $0x1BFF;
	s21 =	sshll.u32 s6, $0x1;
	s3 =	sadd.s32 s4, s19  }
0x9c: {  	s7 =	simm.s32 $0x0;
	s20 =	sshll.u32 s5, $0x1;
	s5 =	sadd.s32 s21, s3  }
0x9d: {  	[timem:s7], [sflag:s22] =	dma.local [hbm:s5], s20  }
0x9e: {  	_ =	swait.ge [sflag:s22], s20  }
0x9f: {  	s4 =	ssub.s32 $0x0, s20;
	[sflag:s22] =	ssyncset.done $0x0  }
0xa0: {  	[sflag:s22] =	ssyncadd.s32 s4;
	_ =	sdelay $0x1  }
0xa1: {  	s23 =	simm.s32 $0x1B8B  }
0xa2: {  	_ =	swait.ge [sflag:s23], $0x1  }
0xa3: {  	[sflag:s23] =	ssyncset.done $0x0  }
0xa4: {  	s25 =	simm.s32 $0x1B8E;
	s24 =	sld [smem:$0x3FFE];
	[sflag:s23] =	ssyncadd.s32 $0xFFFFFFFF  }
0xa5: {  	s26 =	simm.s32 $execute0_lowered;
	[smem:$0x3FD2] =	sst s25  }
0xa6: {  	s5 =	sshll.u32 s26, $0x1;
	_ =	strace $0x80000049;
	[dreg:$0x1] =	wrdreg $0xFFFFFFFF  }
0xa7: {  	s28 =	simm.s32 $_size_execute0_lowered;
	s3 =	sadd.s32 s3, s5;
	[dreg:$0x0] =	wrdreg $0x0  }
0xa8: {  	s5 =	sshll.u32 s28, $0x1;
	[dreg:$0x2] =	wrdreg s3  }
0xa9: {  	[dreg:$0x3] =	wrdreg s5  }
0xaa: {  	[dreg:$0x4] =	wrdreg $0xC0  }
0xab: {  	_ =	task [dreg:s7], $0x5FFFF  }
0xac: {  	[dreg:$0x1] =	wrdreg $0xFFFFFFFF  }
0xad: {  	[dreg:$0x0] =	wrdreg $0x60  }
0xae: {  	[dreg:$0x2] =	wrdreg s24  }
0xaf: {  	[dreg:$0x3] =	wrdreg s2  }
0xb0: {  	[dreg:$0x4] =	wrdreg $0x7C100  }
0xb1: {  	[dreg:$0x5] =	wrdreg $0x118500  }
0xb2: {  	[dreg:$0x6] =	wrdreg $0x9  }
0xb3: {  	_ =	task.clear_ibuf [dreg:s7], $0x7FFFF;
	_ =	strace $0x90000049  }
0xb4: {  	s29 =	simm.s32 $0x9;
	_ =	strace $0x8000004B  }
0xb5: {  	_ =	swait.ge [sflag:s29], $0x1  }
0xb6: {  	[sflag:s29] =	ssyncadd.s32 $0xFFFFFFFF  }
0xb7: {  	_ =	strace $0x9000004B  }
0xb8: {  	_ =	sfence  }
0xb9: {  	s30 =	sld [smem:$0x0];
	_ =	sdelay $0x2  }
0xba: {  	s31 =	sshll.u32 s1, $0xD;
	s1 =	sshrl.u32 s1, $0x2  }
0xbb: {  	s3 =	sand.u32 $0x4000, s31;
	s1 =	sadd.s32 s1, s30  }
0xbc: {  	s0 =	sor.u32 s3, s0;
	s1 =	sshll.u32 s1, $0x11  }
0xbd: {  	s0 =	sor.u32 s1, s0  }
0xbe: {  	s0 =	sadd.s32 $0x8F2B, s0  }
0xbf: {  	[sflag:s0] =	ssyncadd.remote.s32 $0x1  }
0xc0: {  	_ =	sfence.sel $0xFFFF  }
0xc1: {  	[dreg:$0x0] =	wrdreg $0xFFFFFFFF;
	(pc) =	sbr.abs _section_cstart, $3  }
0xc2: {  	[dreg:$0x1] =	wrdreg $0xFFFFFFFF  }
0xc3: {  	_ =	task.clear_ibuf [dreg:s7], $0x2FFFF;
	_ =	strace $0x9FFFFFFF  }
0xc4: {  	(tm) =	ssettm $0x7FFFFFFF  }
0xc5: {  	_ =	shalt  }
tec
execute0_lowered:
.L_overlay_start_1:
0x0: {  	(tag) =	ssettag $0x1  }
0x1: {  	s0 =	rddreg [dreg:$0x0]  }
0x2: {  	s1 =	rddreg [dreg:$0x1]  }
0x3: {  	s2 =	rddreg [dreg:$0x2]  }
0x4: {  	s3 =	rddreg [dreg:$0x3]  }
0x5: {  	s4 =	srdreg.scid;
	s17 =	stileid.u32  }
0x6: {  	s28 =	simm.s32 $0x80;
	s29 =	simm.s32 $0x2710;
	s31 =	simm.s32 $0x1  }
0x7: {  	s30 =	simm.s32 $0x2;
	s5 =	sand.u32 $0x1, s4;
	s7 =	smul.u32 $0x9C40, s17  }
0x8: {  	s6 =	sshll.u32 s17, $0x1;
	s4 =	simm.s32 $0x0;
	s10 =	smul.u32 $0x2710, s17  }
0x9: {  	s11 =	sadd.s32 $0x9DAE00, s0;
	s16 =	sadd.s32 $0x8200, s0;
	s18 =	smul.u32 $0x27100, s17  }
0xa: {  	s23 =	sshll.u32 s17, $0x6;
	s6 =	sor.u32 s5, s6;
	s13 =	smul.u32 $0x4E20, s5  }
0xb: {  	[smem:$0x7FF] =	sst s4;
	s14 =	ssub.s32 $0x2, s5;
	s5 =	smul.u32 $0x13880, s5  }
0xc: {  	s8 =	smul.u32 $0x4E2, s6;
	_ =	strace $0x8000004A;
	s9 =	sshrl.u32 s7, $0x3  }
0xd: {  	s24 =	sshrl.u32 s10, $0x3;
	[dreg:$0x5] =	wrdreg s16;
	s21 =	sshrl.u32 s14, $0x1  }
0xe: {  	s7 =	sadd.s32 s7, s2;
	s25 =	smul.u32 $0x9C400, s6;
	s26 =	sadd.s32 s10, s3  }
0xf: {  	s6 =	smul.u32 $0x13880, s6;
	s19 =	sadd.s32 s9, s0;
	s15 =	sadd.s32 s24, s0  }
0x10: {  	s20 =	sadd.s32 s13, s0;
	s21 =	ssub.s32 s14, s21;
	[dreg:$0x6] =	wrdreg s7  }
0x11: {  	[dreg:$0x8] =	wrdreg s26;
	s1 =	sadd.s32 s1, s5;
	s12 =	sadd.s32 s8, s0  }
0x12: {  	s22 =	sadd.s32 $0x16E00, s19;
	s8 =	sor.u32 $0x1C03, s23;
	s10 =	sadd.s32 $0x3200, s15  }
0x13: {  	s14 =	sshrl.u32 s25, $0x3;
	s0 =	sadd.s32 $0x9DAE08, s0;
	s6 =	sadd.s32 $0x780, s6  }
0x14: {  	s23 =	sadd.s32 s18, s11;
	s26 =	sadd.s32 $0x2A800, s20;
	[dreg:$0x7] =	wrdreg s22  }
0x15: {  	s20 =	smax.u32 s21, $0x1;
	[dreg:$0x9] =	wrdreg s10;
	s15 =	sadd.s32 $0xD000, s12  }
0x16: {  	s12 =	sadd.s32 s11, s14;
	s7 =	sadd.s32 s14, s0;
	[dreg:$0xa] =	wrdreg s15  }
0x17: {  	s0 =	sadd.s32 s6, s0;
	s22 =	sadd.s32 s11, s6;
	[dreg:$0xb] =	wrdreg s7  }
0x18: {  	s24 =	sadd.s32 s24, s26;
	s26 =	simm.s32 $0x40;
	[dreg:$0xe] =	wrdreg s0  }
0x19: {  	s16 =	sadd.s32 $0x280, s12;
	s19 =	sadd.s32 $0x288, s12;
	[dreg:$0xf] =	wrdreg s22  }
0x1a: {  	s25 =	sadd.s32 $0x500, s12;
	s0 =	sadd.s32 s5, s23;
	[dreg:$0xc] =	wrdreg s16  }
0x1b: {  	s22 =	sadd.s32 s9, s1;
	s23 =	simm.s32 $0x3;
	[dreg:$0xd] =	wrdreg s19  }
0x1c: {  	s1 =	simm.s32 $0x0;
	[dreg:$0x10] =	wrdreg s25;
	s19 =	sadd.s32 $0x508, s12  }
0x1d: {  	s21 =	sadd.s32 $0xA08, s0;
	s25 =	simm.s32 $0x7710;
	s0 =	simm.s32 $0x50  }
.LBB2_1:
0x1e: {  	s5 =	rddreg [dreg:$0x6]  }
0x1f: {  	s6 =	rddreg [dreg:$0x7];
	s5 =	sshrl.u32 s5, $0x3  }
0x20: {  	[spmem:s5], [sflag:s8] =	dma.local [hbm:s6], $0x1388  }
0x21: {  	_ =	swait.ge [sflag:s23], $0x1388  }
0x22: {  	[sflag:s23] =	ssyncset.done $0x0;
	s10 =	rddreg [dreg:$0x8]  }
0x23: {  	s7 =	rddreg [dreg:$0x9];
	[sflag:s23] =	ssyncadd.s32 $0xFFFFEC78;
	s6 =	sshrl.u32 s10, $0x3  }
0x24: {  	[spmem:s6], [sflag:s8] =	dma.local [hbm:s7], $0x4E2  }
0x25: {  	_ =	swait.ge [sflag:s23], $0x4E2  }
0x26: {  	[sflag:s23] =	ssyncset.done $0x0  }
0x27: {  	s11 =	rddreg [dreg:$0x5];
	[sflag:s23] =	ssyncadd.s32 $0xFFFFFB1E  }
0x28: {  	[tilespmem:s25], [sflag:$0x3] =	stream.linear.gather [hbm4b:s11+s4], $0x500, $0x38;
	[tilespmem:$0x13F60] =	vst v63  }
0x29: {  	_ =	swait.ge [sflag:s23], $0x500  }
0x2a: {  	[sflag:s23] =	ssyncset.done $0x0  }
0x2b: {  	s13 =	rddreg [dreg:$0xa];
	[sflag:s23] =	ssyncadd.s32 $0xFFFFFB00  }
0x2c: {  	[tilespmem:s4], [sflag:$0x3] =	stream.linear.gather [hbm4b:s13+s4], $0x2710, $0x38;
	[tilespmem:$0x13F60] =	vst v63  }
0x2d: {  	_ =	swait.ge [sflag:s23], $0x2710  }
0x2e: {  	[sflag:s23] =	ssyncset.done $0x0  }
0x2f: {  	[sflag:s23] =	ssyncadd.s32 $0xFFFFD8F0  }
0x30: {  	[bflag:$0x0] =	sbarrier.arrive $0xFFFF  }
0x31: {  	[tilespmem:s29], [sflag:$0x1] =	stream.strided.gather [hbm4b:s12+s26], $0xA00, s28, s26, $0x38;
	[tilespmem:$0x13F60] =	vst v63  }
0x32: {  	s9 =	simm.s32 $0x3110;
	s14 =	rddreg [dreg:$0xb]  }
0x33: {  	[tilespmem:s9], [sflag:$0x1] =	stream.strided.gather [hbm4b:s14+s26], $0xA00, s28, s26, $0x38;
	[tilespmem:$0x13F60] =	vst v63  }
0x34: {  	s16 =	simm.s32 $0x3B10;
	s15 =	rddreg [dreg:$0xc]  }
0x35: {  	[tilespmem:s16], [sflag:$0x1] =	stream.strided.gather [hbm4b:s15+s26], $0xA00, s28, s26, $0x38;
	[tilespmem:$0x13F60] =	vst v63  }
0x36: {  	s18 =	simm.s32 $0x4510;
	s17 =	rddreg [dreg:$0xd]  }
0x37: {  	[tilespmem:s18], [sflag:$0x1] =	stream.strided.gather [hbm4b:s17+s26], $0xA00, s28, s26, $0x38;
	[tilespmem:$0x13F60] =	vst v63  }
0x38: {  	s10 =	simm.s32 $0x4F10;
	s9 =	rddreg [dreg:$0x10]  }
0x39: {  	[tilespmem:s10], [sflag:$0x1] =	stream.strided.gather [hbm4b:s9+s26], $0xA00, s28, s26, $0x38;
	[tilespmem:$0x13F60] =	vst v63  }
0x3a: {  	s11 =	simm.s32 $0x5910  }
0x3b: {  	[tilespmem:s11], [sflag:$0x1] =	stream.strided.gather [hbm4b:s19+s26], $0xA00, s28, s26, $0x38;
	[tilespmem:$0x13F60] =	vst v63  }
0x3c: {  	_ =	swait.ge [sflag:s31], $0xA00  }
0x3d: {  	[sflag:s31] =	ssyncset.done $0x0  }
0x3e: {  	[sflag:s31] =	ssyncadd.s32 $0xFFFFF600  }
0x3f: {  	_ =	swait.ge [sflag:s31], $0xA00  }
0x40: {  	[sflag:s31] =	ssyncset.done $0x0  }
0x41: {  	s14 =	simm.s32 $0x6310;
	s13 =	rddreg [dreg:$0xf];
	[sflag:s31] =	ssyncadd.s32 $0xFFFFF600  }
0x42: {  	[tilespmem:s14], [sflag:$0x1] =	stream.strided.gather [hbm4b:s13+s26], $0xA00, s28, s26, $0x38;
	[tilespmem:$0x13F60] =	vst v63  }
0x43: {  	s16 =	simm.s32 $0x6D10;
	s15 =	rddreg [dreg:$0xe]  }
0x44: {  	[tilespmem:s16], [sflag:$0x1] =	stream.strided.gather [hbm4b:s15+s26], $0xA00, s28, s26, $0x38;
	[tilespmem:$0x13F60] =	vst v63  }
0x45: {  	_ = 	snop  }
0x46: {  	[spmem:s2] =	stream.indirect.scatter.add.f32 [tilespmem:s29], [sflag:$0x2], $0x40, s4, s0, $0xb8;
	[tilespmem:$0x13F60] =	vst v63  }
0x47: {  	_ = 	snop  }
0x48: {  	[spmem:s3] =	stream.indirect.scatter.add.f32 [tilespmem:s25], [sflag:$0x2], $0x10, s4, s0, $0xb8;
	[tilespmem:$0x13F60] =	vst v63  }
0x49: {  	_ =	swait.ge [sflag:s31], $0xA00  }
0x4a: {  	[sflag:s31] =	ssyncset.done $0x0  }
0x4b: {  	[sflag:s31] =	ssyncadd.s32 $0xFFFFF600  }
0x4c: {  	_ =	swait.ge [sflag:s31], $0xA00  }
0x4d: {  	[sflag:s31] =	ssyncset.done $0x0  }
0x4e: {  	p0 =	por $0x0, $0x0;
	s7 =	simm.s32 $0x4;
	[sflag:s31] =	ssyncadd.s32 $0xFFFFF600  }
0x4f: {  	s7 =	sand.u32 @!p0 $0x3, s7;
	s17 =	simm.s32 $0x1;
	_ =	swait.ge [sflag:s30], $0x1400  }
0x50: {  	s7 =	smul.u32 @!p0 $0x5000, s7;
	s9 =	sand.u32 $0x3, s17;
	[sflag:s30] =	ssyncset.done $0x0  }
0x51: {  	s9 =	smul.u32 $0x5000, s9;
	[sflag:s30] =	ssyncadd.s32 $0xFFFFEC00  }
0x52: {  	s7 =	sshrl.u32 @!p0 s7, $0x2;
	s10 =	simm.s32 @!p0 $0x40;
	_ =	swait.ge [sflag:s30], $0x500  }
0x53: {  	s11 =	simm.s32 @!p0 $0x80;
	s9 =	sshrl.u32 s9, $0x2;
	[sflag:s30] =	ssyncset.done $0x0  }
0x54: {  	s13 =	sadd.s32 @!p0 $0xFFFFFFF8, s21;
	s14 =	sadd.s32 @!p0 $0x2710, s7;
	[sflag:s30] =	ssyncadd.s32 $0xFFFFFB00  }
0x55: {  	[tilespmem:s14], [sflag:$0x1] =	stream.strided.gather @!p0 [hbm4b:s13+s10], $0xA00, s11, s10, $0x38;
	[tilespmem:$0x13F60] =	vst v63  }
0x56: {  	s18 =	sadd.s32 $0x2710, s9;
	s9 =	simm.s32 $0xA0;
	s7 =	sadd.s32 @!p0 $0x3110, s7  }
0x57: {  	[tilespmem:s7], [sflag:$0x1] =	stream.strided.gather @!p0 [hbm4b:s21+s10], $0xA00, s11, s10, $0x38;
	[tilespmem:$0x13F60] =	vst v63  }
0x58: {  	s7 =	simm.s32 $0x5;
	s10 =	sadd.s32 $0x280, s21;
	s11 =	simm.s32 $0x50  }
0x59: {  	[spmem:s2] =	stream.indirect.scatter.add.f32 [tilespmem:s18], [sflag:$0x2], $0x40, s0, s0, $0xb8;
	[tilespmem:$0x13F60] =	vst v63  }
.LBB2_2:
0x5a: {  	[spmem:s3] =	stream.indirect.scatter.add.f32 [tilespmem:s25], [sflag:$0x2], $0x10, s11, s0, $0xb8;
	[tilespmem:$0x13F60] =	vst v63  }
0x5b: {  	s13 =	smov.u32 s7;
	s7 =	sadd.s32 $0x1, s7;
	_ =	swait.ge [sflag:s31], $0xA00  }
0x5c: {  	s11 =	smov.u32 s9;
	p0 =	sne.s32 s7, $0x80;
	[sflag:s31] =	ssyncset.done $0x0  }
0x5d: {  	[sflag:s31] =	ssyncadd.s32 $0xFFFFF600  }
0x5e: {  	_ =	swait.ge [sflag:s31], $0xA00  }
0x5f: {  	[sflag:s31] =	ssyncset.done $0x0  }
0x60: {  	s14 =	sadd.s32 $0xFFFFFFFD, s13;
	[sflag:s31] =	ssyncadd.s32 $0xFFFFF600  }
0x61: {  	s15 =	sand.u32 $0x3, s14;
	p1 =	sgt.u32 s14, $0x79;
	_ =	swait.ge [sflag:s30], $0x1400  }
0x62: {  	s14 =	smul.u32 $0x5000, s15;
	s13 =	sand.u32 @!p1 $0x3, s13;
	[sflag:s30] =	ssyncset.done $0x0  }
0x63: {  	s13 =	smul.u32 @!p1 $0x5000, s13;
	[sflag:s30] =	ssyncadd.s32 $0xFFFFEC00  }
0x64: {  	s15 =	simm.s32 @!p1 $0x40;
	s16 =	simm.s32 @!p1 $0x80;
	_ =	swait.ge [sflag:s30], $0x500  }
0x65: {  	s17 =	sadd.s32 @!p1 $0xFFFFFFF8, s10;
	s13 =	sshrl.u32 @!p1 s13, $0x2;
	[sflag:s30] =	ssyncset.done $0x0  }
0x66: {  	s18 =	sadd.s32 @!p1 $0x2710, s13;
	s13 =	sadd.s32 @!p1 $0x3110, s13;
	[sflag:s30] =	ssyncadd.s32 $0xFFFFFB00  }
0x67: {  	[tilespmem:s18], [sflag:$0x1] =	stream.strided.gather @!p1 [hbm4b:s17+s15], $0xA00, s16, s15, $0x38;
	[tilespmem:$0x13F60] =	vst v63  }
.Ltmp0:
0x68: {  	s14 =	sshrl.u32 s14, $0x2;
	(pc) =	sbr.rel @p0 .LBB2_2-.Ltmp0, $4  }
0x69: {  	[tilespmem:s13], [sflag:$0x1] =	stream.strided.gather @!p1 [hbm4b:s10+s15], $0xA00, s16, s15, $0x38;
	[tilespmem:$0x13F60] =	vst v63  }
0x6a: {  	s13 =	sadd.s32 $0x2710, s14  }
0x6b: {  	[spmem:s2] =	stream.indirect.scatter.add.f32 [tilespmem:s13], [sflag:$0x2], $0x40, s9, s0, $0xb8;
	[tilespmem:$0x13F60] =	vst v63  }
0x6c: {  	s10 =	sadd.s32 $0x280, s10;
	s9 =	sadd.s32 $0x50, s9  }
0x6d: {  	[spmem:s3] =	stream.indirect.scatter.add.f32 [tilespmem:s25], [sflag:$0x2], $0x10, s11, s0, $0xb8;
	[tilespmem:$0x13F60] =	vst v63  }
0x6e: {  	_ =	swait.ge [sflag:s30], $0x1400  }
0x6f: {  	[sflag:s30] =	ssyncset.done $0x0  }
0x70: {  	[sflag:s30] =	ssyncadd.s32 $0xFFFFEC00  }
0x71: {  	_ =	swait.ge [sflag:s30], $0x500  }
0x72: {  	[sflag:s30] =	ssyncset.done $0x0  }
0x73: {  	[sflag:s30] =	ssyncadd.s32 $0xFFFFFB00  }
0x74: {  	[bflag:$0x0] =	sbarrier.arrive $0xFFFF  }
0x75: {  	[hbm:s22], [sflag:s8] =	dma.local [spmem:s5], $0x1388  }
0x76: {  	s1 =	sadd.s32 $0x1, s1;
	_ =	swait.ge [sflag:s23], $0x1388  }
0x77: {  	p0 =	sne.s32 s1, s20;
	[sflag:s23] =	ssyncset.done $0x0  }
.Ltmp1:
0x78: {  	[sflag:s23] =	ssyncadd.s32 $0xFFFFEC78;
	(pc) =	sbr.rel @p0 .LBB2_1-.Ltmp1, $4  }
0x79: {  	[hbm:s24], [sflag:s8] =	dma.local [spmem:s6], $0x4E2  }
0x7a: {  	_ =	swait.ge [sflag:s23], $0x4E2  }
0x7b: {  	[sflag:s23] =	ssyncset.done $0x0  }
0x7c: {  	[sflag:s23] =	ssyncadd.s32 $0xFFFFFB1E  }
0x7d: {  	_ =	sfence.sel $0x180000  }
0x7e: {  	[bflag:$0x0] =	sbarrier.arrive $0xFFFF  }
0x7f: {  	_ =	strace $0x9000004A  }
0x80: {  	s0 =	stileid.u32;
	[bflag:$0x2] =	sbarrier.arrive $0xFFFF  }
0x81: {  	p0 =	sne.s32 s0, $0x0;
	s0 =	rddreg [dreg:$0x4]  }
0x82: {  	s0 =	sadd.s32 @!p0 $0x100000, s0  }
0x83: {  	[sflag:s0] =	ssyncadd.tile.s32 @!p0 $0x1;
	_ =	shalt  }
.Lfunc_end2:
_tile_overlayer_lowered:
.L_overlay_start_2:
0x84: {  	(tag) =	ssettag $0x2  }
0x85: {  	s0 =	rddreg [dreg:$0x0];
	s2 =	stileid.u32  }
0x86: {  	s1 =	rddreg [dreg:$0x1];
	p0 =	sne.s32 s2, $0x0  }
0x87: {  	s3 =	rddreg [dreg:$0x2];
	[bflag:$0x3] =	sbarrier.arrive $0xFFFF;
	s2 =	simm.s32 @!p0 $0x1C03  }
0x88: {  	[timem:s3], [sflag:s2] =	dma.local @!p0 [hbm:s0], s1  }
0x89: {  	s0 =	simm.s32 @!p0 $0x3  }
0x8a: {  	_ =	swait.ge @!p0 [sflag:s0], s1  }
0x8b: {  	s1 =	ssub.s32 @!p0 $0x0, s1;
	[sflag:s0] =	ssyncset.done @!p0 $0x0  }
0x8c: {  	[sflag:s0] =	ssyncadd.s32 @!p0 s1  }
0x8d: {  	[bflag:$0x3] =	sbarrier.arrive $0xFFFF  }
0x8e: {  	_ =	shalt  }

// kernel: kernel.7.cloned.1.call-start
scs
__scs_entry_jumppad:
0x0: {  	(pc) =	sbr.rel $0x88, $3  }
0x1: {  	(tag) =	ssettag $0x0;
	lr =	simm.s32 $0x1  }
0x2: {  	[smem:$0x3F96] =	sst lr;
	_ =	strace $0xD0000000  }
0x3: {  	_ = 	snop  }
0x4: {  	_ = 	snop  }
0x5: {  	_ = 	snop  }
0x6: {  	_ = 	snop  }
0x7: {  	_ = 	snop  }
__scs_overlays_trampoline_lowered:
0x8: {  	[smem:$0x3FA5] =	sst s0  }
0x9: {  	[smem:$0x3FA6] =	sst s1  }
0xa: {  	[smem:$0x3FA7] =	sst s2  }
0xb: {  	[smem:$0x3FA8] =	sst s3  }
0xc: {  	[smem:$0x3FA9] =	sst s4  }
0xd: {  	[smem:$0x3FAA] =	sst s5  }
0xe: {  	[smem:$0x3FAB] =	sst s6  }
0xf: {  	[smem:$0x3FAC] =	sst s7  }
0x10: {  	[smem:$0x3FAD] =	sst s8  }
0x11: {  	[smem:$0x3FAE] =	sst s9;
	s0 =	simm.s32 @!p0 $0x0  }
0x12: {  	s1 =	sld [smem:$0x3F94];
	s0 =	simm.s32 @p0 $0x1  }
0x13: {  	[smem:$0x3FAF] =	sst s0;
	s0 =	simm.s32 @!p1 $0x0  }
0x14: {  	s2 =	sld [smem:$0x3F93];
	s0 =	simm.s32 @p1 $0x1  }
0x15: {  	[smem:$0x3FB0] =	sst s0;
	s0 =	simm.s32 @!p2 $0x0  }
0x16: {  	s3 =	sld [smem:$0x3FDB];
	s0 =	simm.s32 @p2 $0x1  }
0x17: {  	s4 =	simm.s32 $0x1BF5;
	[smem:$0x3FB2] =	sst s0  }
0x18: {  	s0 =	sld [smem:$0x3F95];
	_ =	swait.ge [sflag:s4], $0x0  }
0x19: {  	s7 =	sld [smem:$0x3F96]  }
0x1a: {  	s8 =	sadd.s32 $0xFFFFE003, lr  }
0x1b: {  	s9 =	sadd.s32 $0xFFFFFEF7, lr;
	s5 =	simm.s32 $0xFFFFFFFF;
	p2 =	slt.u32 s8, $0xFFFFF086  }
0x1c: {  	p1 =	slt.u32 s9, $0xF7A;
	s5 =	simm.s32 @!p2 $0x0  }
0x1d: {  	s5 =	simm.s32 @p1 $0x1;
	p0 =	seq.s32 s7, s2  }
0x1e: {  	s7 =	smul.u32 @!p0 $0xF7A, s2;
	p2 =	seq.s32 @!p0 s5, $0x0  }
0x1f: {  	s9 =	smul.u32 $0xF7A, s1;
	s8 =	simm.s32 @!p0 $0x1BF5;
	p2 =	por !p2, p0  }
0x20: {  	[sflag:s8] =	ssyncset.s32 @!p0 $0xFFFFF086;
	s6 =	sadd.s32 @!p0 s3, s7;
	s7 =	simm.s32 @!p0 $0x108  }
0x21: {  	s3 =	sadd.s32 s3, s9;
	s6 =	sadd.s32 @!p0 $0x88, s6;
	s7 =	simm.s32 @p2 $0x1082  }
0x22: {  	[simem:s7], [sflag:s8] =	dma.local @!p0 [hbm:s6], $0xF7A  }
0x23: {  	s9 =	sor.u32 $0xD0000000, s2;
	s6 =	simm.s32 $0x108;
	_ =	swait.ge @!p0 [sflag:s8], $0x0  }
0x24: {  	s3 =	sadd.s32 $0x88, s3;
	s6 =	simm.s32 @!p1 $0x1082;
	[sflag:s4] =	ssyncset.s32 $0xFFFFF086  }
0x25: {  	[simem:s6], [sflag:s4] =	dma.local [hbm:s3], $0xF7A  }
0x26: {  	[smem:$0x3F96] =	sst s1;
	(tag) =	ssettag s2;
	_ =	strace s9  }
0x27: {  	s1 =	sld [smem:$0x3FA6]  }
0x28: {  	s2 =	sld [smem:$0x3FA7]  }
0x29: {  	s4 =	sld [smem:$0x3FA9]  }
0x2a: {  	p0 =	seq.s32 s5, $0x0;
	s5 =	sld [smem:$0x3FAA]  }
0x2b: {  	s6 =	sld [smem:$0x3FAB]  }
0x2c: {  	s7 =	sld [smem:$0x3FAC]  }
0x2d: {  	s3 =	simm.s32 $0x108;
	s8 =	sld [smem:$0x3FAD]  }
0x2e: {  	s3 =	simm.s32 @!p0 $0x1082;
	s9 =	sld [smem:$0x3FAE]  }
0x2f: {  	lr =	sadd.s32 s0, s3;
	s0 =	sld [smem:$0x3FA5]  }
0x30: {  	s3 =	sld [smem:$0x3FA8]  }
0x31: {  	[smem:$0x3FB1] =	sst s10  }
0x32: {  	s10 =	sld [smem:$0x3FAF];
	_ =	sdelay $0x3  }
0x33: {  	p0 =	seq.s32 s10, $0x1;
	s10 =	sld [smem:$0x3FB1];
	_ =	sdelay $0x3  }
0x34: {  	[smem:$0x3FB1] =	sst s10  }
0x35: {  	s10 =	sld [smem:$0x3FB0];
	_ =	sdelay $0x3  }
0x36: {  	p1 =	seq.s32 s10, $0x1;
	s10 =	sld [smem:$0x3FB1];
	_ =	sdelay $0x3  }
0x37: {  	[smem:$0x3FB1] =	sst s10  }
0x38: {  	s10 =	sld [smem:$0x3FB2]  }
0x39: {  	_ = 	snop;
	(pc) =	sbr.ind lr, $3  }
0x3a: {  	_ = 	snop  }
0x3b: {  	_ = 	snop  }
0x3c: {  	p2 =	seq.s32 s10, $0x1;
	s10 =	sld [smem:$0x3FB1]  }
0x3d: {  	_ =	shalt  }
0x3e: {  	_ =	shalt  }
0x3f: {  	_ =	shalt  }
0x40: {  	_ =	shalt  }
0x41: {  	_ =	shalt  }
0x42: {  	_ =	shalt  }
0x43: {  	_ =	shalt  }
0x44: {  	_ =	shalt  }
0x45: {  	_ =	shalt  }
0x46: {  	_ =	shalt  }
0x47: {  	_ =	shalt  }
0x48: {  	_ =	shalt  }
0x49: {  	_ =	shalt  }
0x4a: {  	_ =	shalt  }
0x4b: {  	_ =	shalt  }
0x4c: {  	_ =	shalt  }
0x4d: {  	_ =	shalt  }
0x4e: {  	_ =	shalt  }
0x4f: {  	_ =	shalt  }
0x50: {  	_ =	shalt  }
0x51: {  	_ =	shalt  }
0x52: {  	_ =	shalt  }
0x53: {  	_ =	shalt  }
0x54: {  	_ =	shalt  }
0x55: {  	_ =	shalt  }
0x56: {  	_ =	shalt  }
0x57: {  	_ =	shalt  }
0x58: {  	_ =	shalt  }
0x59: {  	_ =	shalt  }
0x5a: {  	_ =	shalt  }
0x5b: {  	_ =	shalt  }
0x5c: {  	_ =	shalt  }
0x5d: {  	_ =	shalt  }
0x5e: {  	_ =	shalt  }
0x5f: {  	_ =	shalt  }
0x60: {  	_ =	shalt  }
0x61: {  	_ =	shalt  }
0x62: {  	_ =	shalt  }
0x63: {  	_ =	shalt  }
0x64: {  	_ =	shalt  }
0x65: {  	_ =	shalt  }
0x66: {  	_ =	shalt  }
0x67: {  	_ =	shalt  }
0x68: {  	_ =	shalt  }
0x69: {  	_ =	shalt  }
0x6a: {  	_ =	shalt  }
0x6b: {  	_ =	shalt  }
0x6c: {  	_ =	shalt  }
0x6d: {  	_ =	shalt  }
0x6e: {  	_ =	shalt  }
0x6f: {  	_ =	shalt  }
0x70: {  	_ =	shalt  }
0x71: {  	_ =	shalt  }
0x72: {  	_ =	shalt  }
0x73: {  	_ =	shalt  }
0x74: {  	_ =	shalt  }
0x75: {  	_ =	shalt  }
0x76: {  	_ =	shalt  }
0x77: {  	_ =	shalt  }
0x78: {  	_ =	shalt  }
0x79: {  	_ =	shalt  }
0x7a: {  	_ =	shalt  }
0x7b: {  	_ =	shalt  }
0x7c: {  	_ =	shalt  }
0x7d: {  	_ =	shalt  }
0x7e: {  	_ =	shalt  }
0x7f: {  	_ =	shalt  }
0x80: {  	_ =	shalt  }
0x81: {  	_ =	shalt  }
0x82: {  	_ =	shalt  }
0x83: {  	_ =	shalt  }
0x84: {  	_ =	shalt  }
0x85: {  	_ =	shalt  }
0x86: {  	_ =	shalt  }
0x87: {  	_ =	shalt  }
.Lfunc_end0:
.L_simem_size_0:
called_computation_lowered:
.L_overlay_start_0:
0x88: {  	s2 =	sld [smem:$0x3FD9]  }
0x89: {  	s3 =	sld [smem:$0x3FFE];
	_ =	sdelay $0x1  }
0x8a: {  	s1 =	srdreg.scid  }
0x8b: {  	s0 =	sand.u32 $0x1, s1  }
0x8c: {  	s17 =	sshll.u32 s0, $0xA;
	s2 =	sadd.s32 s3, s2  }
0x8d: {  	s2 =	sadd.s32 s2, s17  }
0x8e: {  	[smem:$0x3FBD] =	sst s2  }
0x8f: {  	_ = 	snop  }
0x90: {  	s2 =	sld [smem:$0x3FD0];
	(tm) =	ssettm $0x1  }
0x91: {  	s18 =	sld [smem:$0x3FFB];
	_ =	sdelay $0x3  }
0x92: {  	_ =	strace s18  }
0x93: {  	s3 =	sld [smem:$0x3FFC];
	_ =	sdelay $0x3  }
0x94: {  	_ =	strace s3  }
0x95: {  	s3 =	sld [smem:$0x3FFD];
	_ =	sdelay $0x3  }
0x96: {  	_ =	strace s3  }
0x97: {  	_ =	strace $0x8FFFFFFF  }
0x98: {  	s19 =	sld [smem:$0x3FDB];
	_ =	sdelay $0x1  }
0x99: {  	s4 =	simm.s32 $_scs_section_size  }
0x9a: {  	s5 =	simm.s32 $_size__tile_overlayer_lowered;
	s6 =	simm.s32 $_tile_overlayer_lowered  }
0x9b: {  	s22 =	simm.s32 $0x1BFF;
	s21 =	sshll.u32 s6, $0x1;
	s3 =	sadd.s32 s4, s19  }
0x9c: {  	s7 =	simm.s32 $0x0;
	s20 =	sshll.u32 s5, $0x1;
	s5 =	sadd.s32 s21, s3  }
0x9d: {  	[timem:s7], [sflag:s22] =	dma.local [hbm:s5], s20  }
0x9e: {  	_ =	swait.ge [sflag:s22], s20  }
0x9f: {  	s4 =	ssub.s32 $0x0, s20;
	[sflag:s22] =	ssyncset.done $0x0  }
0xa0: {  	[sflag:s22] =	ssyncadd.s32 s4;
	_ =	sdelay $0x1  }
0xa1: {  	s23 =	simm.s32 $0x1B8B  }
0xa2: {  	_ =	swait.ge [sflag:s23], $0x1  }
0xa3: {  	[sflag:s23] =	ssyncset.done $0x0  }
0xa4: {  	s25 =	simm.s32 $0x1B8E;
	s24 =	sld [smem:$0x3FFE];
	[sflag:s23] =	ssyncadd.s32 $0xFFFFFFFF  }
0xa5: {  	s26 =	simm.s32 $execute0_lowered;
	[smem:$0x3FD2] =	sst s25  }
0xa6: {  	s5 =	sshll.u32 s26, $0x1;
	_ =	strace $0x80000046;
	[dreg:$0x1] =	wrdreg $0xFFFFFFFF  }
0xa7: {  	s28 =	simm.s32 $_size_execute0_lowered;
	s3 =	sadd.s32 s3, s5;
	[dreg:$0x0] =	wrdreg $0x0  }
0xa8: {  	s5 =	sshll.u32 s28, $0x1;
	[dreg:$0x2] =	wrdreg s3  }
0xa9: {  	[dreg:$0x3] =	wrdreg s5  }
0xaa: {  	[dreg:$0x4] =	wrdreg $0xC0  }
0xab: {  	_ =	task [dreg:s7], $0x5FFFF  }
0xac: {  	[dreg:$0x1] =	wrdreg $0xFFFFFFFF  }
0xad: {  	[dreg:$0x0] =	wrdreg $0x60  }
0xae: {  	[dreg:$0x2] =	wrdreg s2  }
0xaf: {  	[dreg:$0x3] =	wrdreg s24  }
0xb0: {  	[dreg:$0x4] =	wrdreg $0x9  }
0xb1: {  	_ =	task.clear_ibuf [dreg:s7], $0x5FFFF;
	_ =	strace $0x90000046  }
0xb2: {  	s29 =	simm.s32 $0x9;
	_ =	strace $0x80000048  }
0xb3: {  	_ =	swait.ge [sflag:s29], $0x1  }
0xb4: {  	[sflag:s29] =	ssyncadd.s32 $0xFFFFFFFF  }
0xb5: {  	_ =	strace $0x90000048  }
0xb6: {  	_ =	sfence  }
0xb7: {  	s30 =	sld [smem:$0x0];
	_ =	sdelay $0x2  }
0xb8: {  	s31 =	sshll.u32 s1, $0xD;
	s1 =	sshrl.u32 s1, $0x2  }
0xb9: {  	s3 =	sand.u32 $0x4000, s31;
	s1 =	sadd.s32 s1, s30  }
0xba: {  	s0 =	sor.u32 s3, s0;
	s1 =	sshll.u32 s1, $0x11  }
0xbb: {  	s0 =	sor.u32 s1, s0  }
0xbc: {  	s0 =	sadd.s32 $0x8F2B, s0  }
0xbd: {  	[sflag:s0] =	ssyncadd.remote.s32 $0x1  }
0xbe: {  	_ =	sfence.sel $0xFFFF  }
0xbf: {  	[dreg:$0x0] =	wrdreg $0xFFFFFFFF;
	(pc) =	sbr.abs _section_cstart, $3  }
0xc0: {  	[dreg:$0x1] =	wrdreg $0xFFFFFFFF  }
0xc1: {  	_ =	task.clear_ibuf [dreg:s7], $0x2FFFF;
	_ =	strace $0x9FFFFFFF  }
0xc2: {  	(tm) =	ssettm $0x7FFFFFFF  }
0xc3: {  	_ =	shalt  }
tec
execute0_lowered:
.L_overlay_start_1:
0x0: {  	(tag) =	ssettag $0x1  }
0x1: {  	s2 =	rddreg [dreg:$0x0];
	s1 =	srdreg.scid  }
0x2: {  	s0 =	stileid.u32;
	s4 =	rddreg [dreg:$0x1]  }
0x3: {  	s3 =	simm.s32 $0x0;
	s12 =	simm.s32 $0xA0;
	s13 =	simm.s32 $0x7780  }
0x4: {  	s14 =	simm.s32 $0x1;
	s15 =	simm.s32 $0xF0;
	s16 =	simm.s32 $0x9F80  }
0x5: {  	s17 =	simm.s32 $0x2;
	s18 =	simm.s32 $0x0;
	s5 =	sand.u32 $0x1, s1  }
0x6: {  	s6 =	sshll.u32 s0, $0x1;
	s1 =	rddreg [dreg:$0x2];
	s9 =	smul.u32 $0x4E200, s0  }
0x7: {  	[smem:$0x7FF] =	sst s3;
	s6 =	sor.u32 s5, s6;
	s11 =	smul.u32 $0x27100, s5  }
0x8: {  	s10 =	sadd.s32 $0x16E00, s4;
	s8 =	ssub.s32 $0x2, s5;
	s7 =	smul.u32 $0x4E2, s6  }
0x9: {  	_ =	strace $0x80000047;
	s6 =	smul.u32 $0x27100, s6;
	s29 =	sshrl.u32 s8, $0x1  }
0xa: {  	s31 =	sadd.s32 s9, s10;
	s9 =	simm.s32 $0x50;
	s30 =	ssub.s32 s8, s29  }
0xb: {  	s8 =	simm.s32 $0x3;
	s7 =	sadd.s32 s7, s4;
	s5 =	smax.u32 s30, $0x1  }
0xc: {  	s6 =	sadd.s32 s10, s6;
	s4 =	sadd.s32 $0x3200, s7;
	s7 =	sadd.s32 s11, s31  }
0xd: {  	s10 =	simm.s32 $0x2780;
	s11 =	simm.s32 $0x4F80;
	s7 =	sadd.s32 $0x500, s7  }
.LBB2_1:
0xe: {  	[tilespmem:s3], [sflag:$0x3] =	stream.linear.gather [hbm4b:s4+s3], $0x2710, $0x38;
	[tilespmem:$0xC780] =	vst v63  }
0xf: {  	_ =	swait.ge [sflag:s8], $0x2710  }
0x10: {  	[sflag:s8] =	ssyncset.done $0x0  }
0x11: {  	[sflag:s8] =	ssyncadd.s32 $0xFFFFD8F0  }
0x12: {  	[tilespmem:s10], [sflag:$0x1] =	stream.indirect.gather [hbm4b:s2+s9], $0x80, s3, s9, $0xb8;
	[tilespmem:$0xC780] =	vst v63  }
0x13: {  	_ = 	snop  }
0x14: {  	[tilespmem:s11], [sflag:$0x1] =	stream.indirect.gather [hbm4b:s2+s9], $0x80, s9, s9, $0xb8;
	[tilespmem:$0xC780] =	vst v63  }
0x15: {  	_ = 	snop  }
0x16: {  	[tilespmem:s13], [sflag:$0x1] =	stream.indirect.gather [hbm4b:s2+s9], $0x80, s12, s9, $0xb8;
	[tilespmem:$0xC780] =	vst v63  }
0x17: {  	_ =	swait.ge [sflag:s14], $0x2800  }
0x18: {  	[sflag:s14] =	ssyncset.done $0x0  }
0x19: {  	[sflag:s14] =	ssyncadd.s32 $0xFFFFD800  }
0x1a: {  	[tilespmem:s16], [sflag:$0x1] =	stream.indirect.gather [hbm4b:s2+s9], $0x80, s15, s9, $0xb8;
	[tilespmem:$0xC780] =	vst v63  }
0x1b: {  	s19 =	simm.s32 $0x4;
	p0 =	por $0x0, $0x0  }
0x1c: {  	[hbm4b:s6+s3] =	stream.linear.scatter [tilespmem:s10], [sflag:$0x2], $0x2800, $0x38;
	[tilespmem:$0xC780] =	vst v63  }
0x1d: {  	s20 =	simm.s32 $0x1;
	s19 =	sand.u32 @!p0 $0x3, s19;
	_ =	swait.ge [sflag:s14], $0x2800  }
0x1e: {  	s20 =	sand.u32 $0x3, s20;
	s19 =	smul.u32 @!p0 $0xA000, s19;
	[sflag:s14] =	ssyncset.done $0x0  }
0x1f: {  	s21 =	simm.s32 $0x140;
	s20 =	smul.u32 $0xA000, s20;
	[sflag:s14] =	ssyncadd.s32 $0xFFFFD800  }
0x20: {  	s22 =	simm.s32 @!p0 $0x50;
	s19 =	sshrl.u32 @!p0 s19, $0x2;
	_ =	swait.ge [sflag:s17], $0x2800  }
0x21: {  	s20 =	sshrl.u32 s20, $0x2;
	s19 =	sadd.s32 @!p0 $0x2780, s19;
	[sflag:s17] =	ssyncset.done $0x0  }
0x22: {  	s23 =	sadd.s32 $0x2780, s20;
	s20 =	sadd.s32 $0x500, s7;
	[sflag:s17] =	ssyncadd.s32 $0xFFFFD800  }
0x23: {  	[tilespmem:s19], [sflag:$0x1] =	stream.indirect.gather @!p0 [hbm4b:s2+s22], $0x80, s21, s22, $0xb8;
	[tilespmem:$0xC780] =	vst v63  }
0x24: {  	s19 =	simm.s32 $0x5;
	s21 =	simm.s32 $0x190;
	s22 =	smov.u32 s7  }
.LBB2_2:
0x25: {  	[hbm4b:s22+s3] =	stream.linear.scatter [tilespmem:s23], [sflag:$0x2], $0x2800, $0x38;
	[tilespmem:$0xC780] =	vst v63  }
0x26: {  	s23 =	smov.u32 s19;
	s22 =	smov.u32 s20  }
0x27: {  	s19 =	sadd.s32 $0x1, s19;
	s24 =	sadd.s32 $0xFFFFFFFD, s23;
	_ =	swait.ge [sflag:s14], $0x2800  }
0x28: {  	s25 =	sand.u32 $0x3, s24;
	[sflag:s14] =	ssyncset.done $0x0;
	p0 =	sgt.u32 s24, $0x79  }
0x29: {  	s24 =	smul.u32 $0xA000, s25;
	[sflag:s14] =	ssyncadd.s32 $0xFFFFD800;
	s23 =	sand.u32 @!p0 $0x3, s23  }
0x2a: {  	p1 =	sne.s32 s19, $0x80;
	_ =	swait.ge [sflag:s17], $0x2800;
	s23 =	smul.u32 @!p0 $0xA000, s23  }
.Ltmp0:
0x2b: {  	s24 =	sshrl.u32 s24, $0x2;
	[sflag:s17] =	ssyncset.done $0x0;
	(pc) =	sbr.rel @p1 .LBB2_2-.Ltmp0, $4  }
0x2c: {  	[sflag:s17] =	ssyncadd.s32 $0xFFFFD800;
	s23 =	sshrl.u32 @!p0 s23, $0x2  }
0x2d: {  	s25 =	simm.s32 @!p0 $0x50;
	s23 =	sadd.s32 @!p0 $0x2780, s23  }
0x2e: {  	[tilespmem:s23], [sflag:$0x1] =	stream.indirect.gather @!p0 [hbm4b:s2+s25], $0x80, s21, s25, $0xb8;
	[tilespmem:$0xC780] =	vst v63  }
0x2f: {  	s20 =	sadd.s32 $0x500, s20;
	s23 =	sadd.s32 $0x2780, s24;
	s21 =	sadd.s32 $0x50, s21  }
0x30: {  	s18 =	sadd.s32 $0x1, s18  }
0x31: {  	p0 =	sne.s32 s18, s5  }
.Ltmp1:
0x32: {  	_ = 	snop;
	(pc) =	sbr.rel @p0 .LBB2_1-.Ltmp1, $4  }
0x33: {  	[hbm4b:s22+s3] =	stream.linear.scatter [tilespmem:s23], [sflag:$0x2], $0x2800, $0x38;
	[tilespmem:$0xC780] =	vst v63  }
0x34: {  	_ =	swait.ge [sflag:s17], $0x2800  }
0x35: {  	[sflag:s17] =	ssyncset.done $0x0  }
0x36: {  	[sflag:s17] =	ssyncadd.s32 $0xFFFFD800  }
0x37: {  	_ =	sfence.sel $0x180000  }
0x38: {  	[bflag:$0x0] =	sbarrier.arrive $0xFFFF  }
0x39: {  	p0 =	sne.s32 s0, $0x0;
	_ =	strace $0x90000047  }
0x3a: {  	s0 =	sadd.s32 @!p0 $0x100000, s1;
	[bflag:$0x2] =	sbarrier.arrive $0xFFFF  }
0x3b: {  	[sflag:s0] =	ssyncadd.tile.s32 @!p0 $0x1;
	_ =	shalt  }
.Lfunc_end2:
_tile_overlayer_lowered:
.L_overlay_start_2:
0x3c: {  	(tag) =	ssettag $0x2  }
0x3d: {  	s0 =	rddreg [dreg:$0x0];
	s2 =	stileid.u32  }
0x3e: {  	s1 =	rddreg [dreg:$0x1];
	p0 =	sne.s32 s2, $0x0  }
0x3f: {  	s3 =	rddreg [dreg:$0x2];
	[bflag:$0x3] =	sbarrier.arrive $0xFFFF;
	s2 =	simm.s32 @!p0 $0x1C03  }
0x40: {  	[timem:s3], [sflag:s2] =	dma.local @!p0 [hbm:s0], s1  }
0x41: {  	s0 =	simm.s32 @!p0 $0x3  }
0x42: {  	_ =	swait.ge @!p0 [sflag:s0], s1  }
0x43: {  	s1 =	ssub.s32 @!p0 $0x0, s1;
	[sflag:s0] =	ssyncset.done @!p0 $0x0  }
0x44: {  	[sflag:s0] =	ssyncadd.s32 @!p0 s1  }
0x45: {  	[bflag:$0x3] =	sbarrier.arrive $0xFFFF  }
0x46: {  	_ =	shalt  }

</sc_bundles>
